<compile_context>
chip_gen: v7x
topology: tpu7x:2x2x1
jax: 0.10.2.dev20260603
libtpu: 0.0.44.dev20260713+nightly
codegen_flags: <defaults>
</compile_context>

<pallas_src>
import functools

import jax
import jax.numpy as jnp
from jax import lax
from jax.experimental import pallas as pl
from jax.experimental.pallas import tpu as pltpu
from jax.experimental.pallas import tpu_sc as plsc

B, N, D, K = 16, 1024, 32, 8192
T = B * N
TOK_TILE = 512
KC = 2048
LANES = 128

NC = 2
NS = 16
NW = NC * NS
T_PER_W = T // NW
GCH = 128
N_CH = T_PER_W // GCH


N_TILES = T // TOK_TILE
GRID_N = N_TILES + 1


def _tc_index_body(x_ref, e_ref, idx_ref, bb_ref, bt_ref):
    i = pl.program_id(0)

    @pl.when(i < N_TILES)
    def _compute():
        x = x_ref[...]
        n = jnp.sqrt(jnp.sum(x * x, axis=1, keepdims=True))
        xn = x / jnp.maximum(n, 1e-12)

        acc = []
        half = K // (2 * KC)
        for h in range(2):
            best = jnp.full((TOK_TILE, LANES), -jnp.inf, jnp.float32)
            btile = jnp.zeros((TOK_TILE, LANES), jnp.float32)
            for j in range(h * half, (h + 1) * half):
                e = e_ref[pl.ds(j * KC, KC), :]
                d = lax.dot_general(xn, e, (((1,), (1,)), ((), ())),
                                    preferred_element_type=jnp.float32)
                for s in range(KC // LANES):
                    ds = lax.slice(d, (0, s * LANES),
                                   (TOK_TILE, (s + 1) * LANES))
                    gt = ds > best
                    best = jnp.maximum(best, ds)
                    btile = jnp.where(
                        gt, jnp.float32(j * (KC // LANES) + s), btile)
            acc.append((best, btile))
        (b0, t0), (b1, t1) = acc
        gt = b1 > b0
        bb_ref[i % 2] = jnp.maximum(b0, b1)
        bt_ref[i % 2] = jnp.where(gt, t1, t0)

    @pl.when(i > 0)
    def _finale():
        best = bb_ref[(i + 1) % 2]
        btile = bt_ref[(i + 1) % 2]
        lane_iota = lax.broadcasted_iota(
            jnp.int32, (TOK_TILE, LANES), 1).astype(jnp.float32)
        bidx = btile * LANES + lane_iota
        m = jnp.max(best, axis=1, keepdims=True)
        cand = jnp.where(best == m, bidx, jnp.float32(K))
        idx_ref[...] = jnp.min(cand, axis=1).astype(jnp.int32)


_tc_indices = pl.pallas_call(
    _tc_index_body,
    grid=(GRID_N,),
    in_specs=[
        pl.BlockSpec((TOK_TILE, D), lambda i: (jnp.minimum(i, N_TILES - 1), 0)),
        pl.BlockSpec((K, D), lambda i: (0, 0)),
    ],
    out_specs=pl.BlockSpec((TOK_TILE,), lambda i: ((i + GRID_N - 1) % GRID_N,)),
    out_shape=jax.ShapeDtypeStruct((GRID_N * TOK_TILE,), jnp.int32),
    scratch_shapes=[
        pltpu.VMEM((2, TOK_TILE, LANES), jnp.float32),
        pltpu.VMEM((2, TOK_TILE, LANES), jnp.float32),
    ],
)


@functools.lru_cache(maxsize=1)
def _make_sc_gather():
    @functools.partial(
        pl.kernel,
        mesh=plsc.VectorSubcoreMesh(core_axis_name="c", subcore_axis_name="s"),
        out_type=jax.ShapeDtypeStruct((NW, N_CH, GCH, D), jnp.float32),
        scratch_types=[
            pltpu.VMEM((T_PER_W,), jnp.int32),
            pltpu.VMEM((N_CH, GCH, D), jnp.float32),
            pltpu.SemaphoreType.DMA,
        ],
        compiler_params=pltpu.CompilerParams(use_tc_tiling_on_sc=False),
    )
    def _sc_gather(table_hbm, idx_hbm, out_hbm, idx_v, rows_v, sem):
        wid = lax.axis_index("s") * NC + lax.axis_index("c")
        pltpu.sync_copy(idx_hbm.at[pl.ds(wid * T_PER_W, T_PER_W)], idx_v)
        copies = [
            pltpu.async_copy(table_hbm.at[idx_v.at[pl.ds(j * GCH, GCH)]],
                             rows_v.at[j], sem)
            for j in range(N_CH)
        ]
        for c in copies:
            c.wait()
        pltpu.sync_copy(rows_v, out_hbm.at[wid])

    return _sc_gather


def kernel(x, embed):
    xf = x.reshape(T, D)
    table = embed.reshape(K, D)
    idx_padded = _tc_indices(xf, table)
    rows = _make_sc_gather()(table, idx_padded)
    return rows.reshape(B, N, D)

# --- scband reference (transcript-rebuilt; emitter-appended) ---
"""Pipeline reference for scband-custom-vector-quantizer-19396072309114 (READ-ONLY COPY).

The authoritative reference and input builder live on the scoring server;
editing this copy changes nothing except your own understanding.
"""

import jax, jax.numpy as jnp
import numpy as np

B, N, D, K = 16, 1024, 32, 8192

def l2norm(t, eps=1e-12):
    n = jnp.linalg.norm(t, axis=-1, keepdims=True)
    return t / jnp.maximum(n, eps)

def setup_inputs(seed: int = 0) -> dict:
    key = jax.random.key(seed)
    k1, k2 = jax.random.split(key)
    x = jax.random.normal(k1, (B, N, D), dtype=jnp.float32)
    # codebook buffer: l2norm of kaiming-uniform init, shape [num_codebooks=1, K, D]
    bound = float(np.sqrt(6.0 / D))
    embed = jax.random.uniform(k2, (1, K, D), minval=-bound, maxval=bound, dtype=jnp.float32)
    embed = l2norm(embed)
    return {"x": x, "embed": embed}

def reference(x, embed):
    # project_in is Identity (dim == codebook_dim * heads)
    x = l2norm(x)  # transform_input (cosine-sim codebook)
    # needs_codebook_dim: x.ndim < 4 -> add head dim, then pack 'h * d'
    flat = x.reshape(1, B * N, D)
    # dist = einsum('h n d, h c d -> h n c', flatten, embed); embed is detached buffer
    embed_sg = jax.lax.stop_gradient(embed)
    dist = jnp.einsum('hnd,hcd->hnc', flat, embed_sg)
    # gumbel_sample (stochastic=False) -> argmax over codes
    embed_ind = jnp.argmax(dist, axis=-1)  # [1, B*N]
    embed_ind = embed_ind.reshape(1, B, N)
    # batched_embedding: gather codes -> [1, B, N, D], then drop head dim
    quantize = jnp.take(embed_sg[0], embed_ind[0], axis=0)  # [B, N, D]
    # straight-through: quantize = x + (quantize - x).detach()
    quantize = x + jax.lax.stop_gradient(quantize - x)
    # project_out is Identity
    return quantize

if __name__ == "__main__":
    import jax
    _d = setup_inputs()
    print(jax.jit(kernel)(*tuple(_d.values())))

</pallas_src>

<mosaic_0001>
#map = affine_map<(d0, d1) -> (0, 0)>
#map1 = affine_map<(d0, d1) -> (0)>
#map2 = affine_map<(d0, d1) -> (0, 0, 0, 0)>
module attributes {stable_mosaic.version = 14 : i64} {
  func.func @_sc_gather(%arg0: i32, %arg1: i32, %arg2: memref<8192x32xf32, #tpu.memory_space<hbm>>, %arg3: memref<16896xi32, #tpu.memory_space<hbm>>, %arg4: memref<32x4x128x32xf32, #tpu.memory_space<hbm>>, %arg5: memref<512xi32, #tpu.memory_space<vmem>>, %arg6: memref<4x128x32xf32, #tpu.memory_space<vmem>>, %arg7: memref<!tpu.dma_semaphore, #tpu.memory_space<semaphore_mem>>) attributes {dimension_semantics = [#tpu.dimension_semantics<core_parallel>, #tpu.dimension_semantics<subcore_parallel>], iteration_bounds = array<i64: 2, 16>, scalar_prefetch = 0 : i64, scratch_operands = 3 : i64, tpu.core_type = #tpu.core_type<sc_vector_subcore>, window_params = [{transform_indices = #map}, {transform_indices = #map1}, {transform_indices = #map2}]} {
    %mul3A = arith.constant 2 : i32
    %mul3A_0 = arith.muli %arg1, %mul3A : i32
    %add3A = arith.addi %mul3A_0, %arg0 : i32
    %mul3A_1 = arith.constant 512 : i32
    %mul3A_2 = arith.muli %add3A, %mul3A_1 : i32
    "tpu.region"() ({
      %run_scoped3A = tpu.sem_alloc : memref<!tpu.dma_semaphore, #tpu.memory_space<semaphore_mem>>
      %dma_start3A_81 = tpu.memref_slice %arg3[%mul3A_2] : memref<16896xi32, #tpu.memory_space<hbm>> -> memref<512xi32, #tpu.memory_space<hbm>>
      %dma_start3A_82 = tpu.memref_slice %arg3[%mul3A_2] : memref<16896xi32, #tpu.memory_space<hbm>> -> memref<512xi32, #tpu.memory_space<hbm>>
      tpu.enqueue_dma source(%dma_start3A_82 : memref<512xi32, #tpu.memory_space<hbm>>) target(%arg5 : memref<512xi32, #tpu.memory_space<vmem>>) target_semaphore(%run_scoped3A : memref<!tpu.dma_semaphore, #tpu.memory_space<semaphore_mem>>)
      %dma_wait3A_83 = tpu.memref_slice %arg3[%mul3A_2] : memref<16896xi32, #tpu.memory_space<hbm>> -> memref<512xi32, #tpu.memory_space<hbm>>
      %dma_wait3A_84 = tpu.memref_slice %arg3[%mul3A_2] : memref<16896xi32, #tpu.memory_space<hbm>> -> memref<512xi32, #tpu.memory_space<hbm>>
      tpu.wait_dma2 semaphore(%run_scoped3A : memref<!tpu.dma_semaphore, #tpu.memory_space<semaphore_mem>>) src(%dma_wait3A_84 : memref<512xi32, #tpu.memory_space<hbm>>) dst(%arg5 : memref<512xi32, #tpu.memory_space<vmem>>)
      tpu.yield
    }) : () -> ()
    %dma_start3A = arith.constant 0 : i32
    %dma_start3A_3 = arith.constant 0 : i32
    %dma_start3A_4 = arith.constant 0 : i32
    %dma_start3A_5 = tpu.memref_slice %arg6[%dma_start3A, %dma_start3A_3, %dma_start3A_4] : memref<4x128x32xf32, #tpu.memory_space<vmem>> -> memref<1x128x32xf32, #tpu.memory_space<vmem>>
    %dma_start3A_6 = tpu.memref_squeeze %dma_start3A_5 : memref<1x128x32xf32, #tpu.memory_space<vmem>> -> memref<128x32xf32, #tpu.memory_space<vmem>>
    %dma_start3A_7 = arith.constant 0 : i32
    %dma_start3A_8 = tpu.memref_slice %arg5[%dma_start3A_7] : memref<512xi32, #tpu.memory_space<vmem>> -> memref<128xi32, #tpu.memory_space<vmem>>
    %dma_start3A_9 = arith.constant 0 : i32
    %dma_start3A_10 = arith.constant 0 : i32
    %dma_start3A_11 = tpu.memref_slice %arg2[%dma_start3A_9, %dma_start3A_10] : memref<8192x32xf32, #tpu.memory_space<hbm>> -> memref<8192x32xf32, #tpu.memory_space<hbm>>
    tpu.enqueue_indirect_dma source(%dma_start3A_11 : memref<8192x32xf32, #tpu.memory_space<hbm>>) target(%dma_start3A_6 : memref<128x32xf32, #tpu.memory_space<vmem>>) offsets(%dma_start3A_8 : memref<128xi32, #tpu.memory_space<vmem>>) semaphore(%arg7 : memref<!tpu.dma_semaphore, #tpu.memory_space<semaphore_mem>>)
    %dma_start3A_12 = arith.constant 1 : i32
    %dma_start3A_13 = arith.constant 0 : i32
    %dma_start3A_14 = arith.constant 0 : i32
    %dma_start3A_15 = tpu.memref_slice %arg6[%dma_start3A_12, %dma_start3A_13, %dma_start3A_14] : memref<4x128x32xf32, #tpu.memory_space<vmem>> -> memref<1x128x32xf32, #tpu.memory_space<vmem>>
    %dma_start3A_16 = tpu.memref_squeeze %dma_start3A_15 : memref<1x128x32xf32, #tpu.memory_space<vmem>> -> memref<128x32xf32, #tpu.memory_space<vmem>>
    %dma_start3A_17 = arith.constant 128 : i32
    %dma_start3A_18 = tpu.memref_slice %arg5[%dma_start3A_17] : memref<512xi32, #tpu.memory_space<vmem>> -> memref<128xi32, #tpu.memory_space<vmem>>
    %dma_start3A_19 = arith.constant 0 : i32
    %dma_start3A_20 = arith.constant 0 : i32
    %dma_start3A_21 = tpu.memref_slice %arg2[%dma_start3A_19, %dma_start3A_20] : memref<8192x32xf32, #tpu.memory_space<hbm>> -> memref<8192x32xf32, #tpu.memory_space<hbm>>
    tpu.enqueue_indirect_dma source(%dma_start3A_21 : memref<8192x32xf32, #tpu.memory_space<hbm>>) target(%dma_start3A_16 : memref<128x32xf32, #tpu.memory_space<vmem>>) offsets(%dma_start3A_18 : memref<128xi32, #tpu.memory_space<vmem>>) semaphore(%arg7 : memref<!tpu.dma_semaphore, #tpu.memory_space<semaphore_mem>>)
    %dma_start3A_22 = arith.constant 2 : i32
    %dma_start3A_23 = arith.constant 0 : i32
    %dma_start3A_24 = arith.constant 0 : i32
    %dma_start3A_25 = tpu.memref_slice %arg6[%dma_start3A_22, %dma_start3A_23, %dma_start3A_24] : memref<4x128x32xf32, #tpu.memory_space<vmem>> -> memref<1x128x32xf32, #tpu.memory_space<vmem>>
    %dma_start3A_26 = tpu.memref_squeeze %dma_start3A_25 : memref<1x128x32xf32, #tpu.memory_space<vmem>> -> memref<128x32xf32, #tpu.memory_space<vmem>>
    %dma_start3A_27 = arith.constant 256 : i32
    %dma_start3A_28 = tpu.memref_slice %arg5[%dma_start3A_27] : memref<512xi32, #tpu.memory_space<vmem>> -> memref<128xi32, #tpu.memory_space<vmem>>
    %dma_start3A_29 = arith.constant 0 : i32
    %dma_start3A_30 = arith.constant 0 : i32
    %dma_start3A_31 = tpu.memref_slice %arg2[%dma_start3A_29, %dma_start3A_30] : memref<8192x32xf32, #tpu.memory_space<hbm>> -> memref<8192x32xf32, #tpu.memory_space<hbm>>
    tpu.enqueue_indirect_dma source(%dma_start3A_31 : memref<8192x32xf32, #tpu.memory_space<hbm>>) target(%dma_start3A_26 : memref<128x32xf32, #tpu.memory_space<vmem>>) offsets(%dma_start3A_28 : memref<128xi32, #tpu.memory_space<vmem>>) semaphore(%arg7 : memref<!tpu.dma_semaphore, #tpu.memory_space<semaphore_mem>>)
    %dma_start3A_32 = arith.constant 3 : i32
    %dma_start3A_33 = arith.constant 0 : i32
    %dma_start3A_34 = arith.constant 0 : i32
    %dma_start3A_35 = tpu.memref_slice %arg6[%dma_start3A_32, %dma_start3A_33, %dma_start3A_34] : memref<4x128x32xf32, #tpu.memory_space<vmem>> -> memref<1x128x32xf32, #tpu.memory_space<vmem>>
    %dma_start3A_36 = tpu.memref_squeeze %dma_start3A_35 : memref<1x128x32xf32, #tpu.memory_space<vmem>> -> memref<128x32xf32, #tpu.memory_space<vmem>>
    %dma_start3A_37 = arith.constant 384 : i32
    %dma_start3A_38 = tpu.memref_slice %arg5[%dma_start3A_37] : memref<512xi32, #tpu.memory_space<vmem>> -> memref<128xi32, #tpu.memory_space<vmem>>
    %dma_start3A_39 = arith.constant 0 : i32
    %dma_start3A_40 = arith.constant 0 : i32
    %dma_start3A_41 = tpu.memref_slice %arg2[%dma_start3A_39, %dma_start3A_40] : memref<8192x32xf32, #tpu.memory_space<hbm>> -> memref<8192x32xf32, #tpu.memory_space<hbm>>
    tpu.enqueue_indirect_dma source(%dma_start3A_41 : memref<8192x32xf32, #tpu.memory_space<hbm>>) target(%dma_start3A_36 : memref<128x32xf32, #tpu.memory_space<vmem>>) offsets(%dma_start3A_38 : memref<128xi32, #tpu.memory_space<vmem>>) semaphore(%arg7 : memref<!tpu.dma_semaphore, #tpu.memory_space<semaphore_mem>>)
    %dma_wait3A = arith.constant 0 : i32
    %dma_wait3A_42 = arith.constant 0 : i32
    %dma_wait3A_43 = arith.constant 0 : i32
    %dma_wait3A_44 = tpu.memref_slice %arg6[%dma_wait3A, %dma_wait3A_42, %dma_wait3A_43] : memref<4x128x32xf32, #tpu.memory_space<vmem>> -> memref<1x128x32xf32, #tpu.memory_space<vmem>>
    %dma_wait3A_45 = tpu.memref_squeeze %dma_wait3A_44 : memref<1x128x32xf32, #tpu.memory_space<vmem>> -> memref<128x32xf32, #tpu.memory_space<vmem>>
    %dma_wait3A_46 = arith.constant 0 : i32
    %dma_wait3A_47 = tpu.memref_slice %arg5[%dma_wait3A_46] : memref<512xi32, #tpu.memory_space<vmem>> -> memref<128xi32, #tpu.memory_space<vmem>>
    %dma_wait3A_48 = arith.constant 0 : i32
    %dma_wait3A_49 = arith.constant 0 : i32
    %dma_wait3A_50 = tpu.memref_slice %arg2[%dma_wait3A_48, %dma_wait3A_49] : memref<8192x32xf32, #tpu.memory_space<hbm>> -> memref<8192x32xf32, #tpu.memory_space<hbm>>
    tpu.wait_indirect_dma semaphore(%arg7 : memref<!tpu.dma_semaphore, #tpu.memory_space<semaphore_mem>>) src(%dma_wait3A_50 : memref<8192x32xf32, #tpu.memory_space<hbm>>) dst(%dma_wait3A_45 : memref<128x32xf32, #tpu.memory_space<vmem>>)
    %dma_wait3A_51 = arith.constant 1 : i32
    %dma_wait3A_52 = arith.constant 0 : i32
    %dma_wait3A_53 = arith.constant 0 : i32
    %dma_wait3A_54 = tpu.memref_slice %arg6[%dma_wait3A_51, %dma_wait3A_52, %dma_wait3A_53] : memref<4x128x32xf32, #tpu.memory_space<vmem>> -> memref<1x128x32xf32, #tpu.memory_space<vmem>>
    %dma_wait3A_55 = tpu.memref_squeeze %dma_wait3A_54 : memref<1x128x32xf32, #tpu.memory_space<vmem>> -> memref<128x32xf32, #tpu.memory_space<vmem>>
    %dma_wait3A_56 = arith.constant 128 : i32
    %dma_wait3A_57 = tpu.memref_slice %arg5[%dma_wait3A_56] : memref<512xi32, #tpu.memory_space<vmem>> -> memref<128xi32, #tpu.memory_space<vmem>>
    %dma_wait3A_58 = arith.constant 0 : i32
    %dma_wait3A_59 = arith.constant 0 : i32
    %dma_wait3A_60 = tpu.memref_slice %arg2[%dma_wait3A_58, %dma_wait3A_59] : memref<8192x32xf32, #tpu.memory_space<hbm>> -> memref<8192x32xf32, #tpu.memory_space<hbm>>
    tpu.wait_indirect_dma semaphore(%arg7 : memref<!tpu.dma_semaphore, #tpu.memory_space<semaphore_mem>>) src(%dma_wait3A_60 : memref<8192x32xf32, #tpu.memory_space<hbm>>) dst(%dma_wait3A_55 : memref<128x32xf32, #tpu.memory_space<vmem>>)
    %dma_wait3A_61 = arith.constant 2 : i32
    %dma_wait3A_62 = arith.constant 0 : i32
    %dma_wait3A_63 = arith.constant 0 : i32
    %dma_wait3A_64 = tpu.memref_slice %arg6[%dma_wait3A_61, %dma_wait3A_62, %dma_wait3A_63] : memref<4x128x32xf32, #tpu.memory_space<vmem>> -> memref<1x128x32xf32, #tpu.memory_space<vmem>>
    %dma_wait3A_65 = tpu.memref_squeeze %dma_wait3A_64 : memref<1x128x32xf32, #tpu.memory_space<vmem>> -> memref<128x32xf32, #tpu.memory_space<vmem>>
    %dma_wait3A_66 = arith.constant 256 : i32
    %dma_wait3A_67 = tpu.memref_slice %arg5[%dma_wait3A_66] : memref<512xi32, #tpu.memory_space<vmem>> -> memref<128xi32, #tpu.memory_space<vmem>>
    %dma_wait3A_68 = arith.constant 0 : i32
    %dma_wait3A_69 = arith.constant 0 : i32
    %dma_wait3A_70 = tpu.memref_slice %arg2[%dma_wait3A_68, %dma_wait3A_69] : memref<8192x32xf32, #tpu.memory_space<hbm>> -> memref<8192x32xf32, #tpu.memory_space<hbm>>
    tpu.wait_indirect_dma semaphore(%arg7 : memref<!tpu.dma_semaphore, #tpu.memory_space<semaphore_mem>>) src(%dma_wait3A_70 : memref<8192x32xf32, #tpu.memory_space<hbm>>) dst(%dma_wait3A_65 : memref<128x32xf32, #tpu.memory_space<vmem>>)
    %dma_wait3A_71 = arith.constant 3 : i32
    %dma_wait3A_72 = arith.constant 0 : i32
    %dma_wait3A_73 = arith.constant 0 : i32
    %dma_wait3A_74 = tpu.memref_slice %arg6[%dma_wait3A_71, %dma_wait3A_72, %dma_wait3A_73] : memref<4x128x32xf32, #tpu.memory_space<vmem>> -> memref<1x128x32xf32, #tpu.memory_space<vmem>>
    %dma_wait3A_75 = tpu.memref_squeeze %dma_wait3A_74 : memref<1x128x32xf32, #tpu.memory_space<vmem>> -> memref<128x32xf32, #tpu.memory_space<vmem>>
    %dma_wait3A_76 = arith.constant 384 : i32
    %dma_wait3A_77 = tpu.memref_slice %arg5[%dma_wait3A_76] : memref<512xi32, #tpu.memory_space<vmem>> -> memref<128xi32, #tpu.memory_space<vmem>>
    %dma_wait3A_78 = arith.constant 0 : i32
    %dma_wait3A_79 = arith.constant 0 : i32
    %dma_wait3A_80 = tpu.memref_slice %arg2[%dma_wait3A_78, %dma_wait3A_79] : memref<8192x32xf32, #tpu.memory_space<hbm>> -> memref<8192x32xf32, #tpu.memory_space<hbm>>
    tpu.wait_indirect_dma semaphore(%arg7 : memref<!tpu.dma_semaphore, #tpu.memory_space<semaphore_mem>>) src(%dma_wait3A_80 : memref<8192x32xf32, #tpu.memory_space<hbm>>) dst(%dma_wait3A_75 : memref<128x32xf32, #tpu.memory_space<vmem>>)
    "tpu.region"() ({
      %run_scoped3A = tpu.sem_alloc : memref<!tpu.dma_semaphore, #tpu.memory_space<semaphore_mem>>
      %dma_start3A_81 = arith.constant 0 : i32
      %dma_start3A_82 = arith.constant 0 : i32
      %dma_start3A_83 = arith.constant 0 : i32
      %dma_start3A_84 = tpu.memref_slice %arg4[%add3A, %dma_start3A_81, %dma_start3A_82, %dma_start3A_83] : memref<32x4x128x32xf32, #tpu.memory_space<hbm>> -> memref<1x4x128x32xf32, #tpu.memory_space<hbm>>
      %dma_start3A_85 = tpu.memref_squeeze %dma_start3A_84 : memref<1x4x128x32xf32, #tpu.memory_space<hbm>> -> memref<4x128x32xf32, #tpu.memory_space<hbm>>
      %dma_start3A_86 = arith.constant 0 : i32
      %dma_start3A_87 = arith.constant 0 : i32
      %dma_start3A_88 = arith.constant 0 : i32
      %dma_start3A_89 = tpu.memref_slice %arg4[%add3A, %dma_start3A_86, %dma_start3A_87, %dma_start3A_88] : memref<32x4x128x32xf32, #tpu.memory_space<hbm>> -> memref<1x4x128x32xf32, #tpu.memory_space<hbm>>
      %dma_start3A_90 = tpu.memref_squeeze %dma_start3A_89 : memref<1x4x128x32xf32, #tpu.memory_space<hbm>> -> memref<4x128x32xf32, #tpu.memory_space<hbm>>
      tpu.enqueue_dma source(%arg6 : memref<4x128x32xf32, #tpu.memory_space<vmem>>) target(%dma_start3A_90 : memref<4x128x32xf32, #tpu.memory_space<hbm>>) target_semaphore(%run_scoped3A : memref<!tpu.dma_semaphore, #tpu.memory_space<semaphore_mem>>)
      %dma_wait3A_91 = arith.constant 0 : i32
      %dma_wait3A_92 = arith.constant 0 : i32
      %dma_wait3A_93 = arith.constant 0 : i32
      %dma_wait3A_94 = tpu.memref_slice %arg4[%add3A, %dma_wait3A_91, %dma_wait3A_92, %dma_wait3A_93] : memref<32x4x128x32xf32, #tpu.memory_space<hbm>> -> memref<1x4x128x32xf32, #tpu.memory_space<hbm>>
      %dma_wait3A_95 = tpu.memref_squeeze %dma_wait3A_94 : memref<1x4x128x32xf32, #tpu.memory_space<hbm>> -> memref<4x128x32xf32, #tpu.memory_space<hbm>>
      %dma_wait3A_96 = arith.constant 0 : i32
      %dma_wait3A_97 = arith.constant 0 : i32
      %dma_wait3A_98 = arith.constant 0 : i32
      %dma_wait3A_99 = tpu.memref_slice %arg4[%add3A, %dma_wait3A_96, %dma_wait3A_97, %dma_wait3A_98] : memref<32x4x128x32xf32, #tpu.memory_space<hbm>> -> memref<1x4x128x32xf32, #tpu.memory_space<hbm>>
      %dma_wait3A_100 = tpu.memref_squeeze %dma_wait3A_99 : memref<1x4x128x32xf32, #tpu.memory_space<hbm>> -> memref<4x128x32xf32, #tpu.memory_space<hbm>>
      tpu.wait_dma2 semaphore(%run_scoped3A : memref<!tpu.dma_semaphore, #tpu.memory_space<semaphore_mem>>) src(%arg6 : memref<4x128x32xf32, #tpu.memory_space<vmem>>) dst(%dma_wait3A_100 : memref<4x128x32xf32, #tpu.memory_space<hbm>>)
      tpu.yield
    }) : () -> ()
    return
  }
}

module attributes {stable_mosaic.version = 14 : i64} {
  func.func @_tc_index_body(%arg0: i32, %arg1: memref<512x32xf32, #tpu.memory_space<vmem>>, %arg2: memref<8192x32xf32, #tpu.memory_space<vmem>>, %arg3: memref<512xi32, #tpu.memory_space<vmem>>, %arg4: memref<2x512x128xf32, #tpu.memory_space<vmem>>, %arg5: memref<2x512x128xf32, #tpu.memory_space<vmem>>) attributes {dimension_semantics = [#tpu.dimension_semantics<arbitrary>], iteration_bounds = array<i64: 33>, scalar_prefetch = 0 : i64, scratch_operands = 2 : i64, tpu.core_type = #tpu.core_type<tc>, window_params = [{transform_indices = @transform_0, window_bounds = array<i64: 512, 32>}, {pipeline_mode = #tpu.pipeline_mode<synchronous>, transform_indices = @transform_1, window_bounds = array<i64: 8192, 32>}, {transform_indices = @transform_2, window_bounds = array<i64: 512>}]} {
    %lt3A = arith.constant 32 : i32
    %lt3A_0 = arith.cmpi slt, %arg0, %lt3A : i32
    %convert_element_type3A = arith.extui %lt3A_0 : i1 to i32
    %cond3A = arith.constant 0 : i32
    %cond3A_1 = arith.cmpi ne, %convert_element_type3A, %cond3A : i32
    scf.if %cond3A_1 {
      %get3A = arith.constant 0 : index
      %get3A_6 = arith.constant 0 : index
      %get3A_7 = vector.load %arg1[%get3A, %get3A_6] : memref<512x32xf32, #tpu.memory_space<vmem>>, vector<512x32xf32>
      %mul3A = arith.mulf %get3A_7, %get3A_7 : vector<512x32xf32>
      %reduce_sum3A = arith.constant dense<0.000000e+00> : vector<512xf32>
      %reduce_sum3A_8 = vector.multi_reduction <add>, %mul3A, %reduce_sum3A [1] : vector<512x32xf32> to vector<512xf32>
      %broadcast_in_dim3A = vector.shape_cast %reduce_sum3A_8 : vector<512xf32> to vector<512x1xf32>
      %sqrt3A = math.sqrt %broadcast_in_dim3A : vector<512x1xf32>
      %max3A = arith.constant 9.99999996E-13 : f32
      %max3A_9 = vector.broadcast %max3A : f32 to vector<512x1xf32>
      %max3A_10 = arith.maximumf %sqrt3A, %max3A_9 : vector<512x1xf32>
      %div3A = vector.broadcast %max3A_10 : vector<512x1xf32> to vector<512x32xf32>
      %div3A_11 = arith.divf %get3A_7, %div3A : vector<512x32xf32>
      %broadcast_in_dim3A_12 = arith.constant 0xFF800000 : f32
      %broadcast_in_dim3A_13 = vector.broadcast %broadcast_in_dim3A_12 : f32 to vector<512x128xf32>
      %broadcast_in_dim3A_14 = arith.constant 0.000000e+00 : f32
      %broadcast_in_dim3A_15 = vector.broadcast %broadcast_in_dim3A_14 : f32 to vector<512x128xf32>
      %get3A_16 = arith.constant 0 : index
      %get3A_17 = arith.constant 0 : index
      %get3A_18 = vector.load %arg2[%get3A_16, %get3A_17] : memref<8192x32xf32, #tpu.memory_space<vmem>>, vector<2048x32xf32>
      %dot_general3A = arith.constant dense<0.000000e+00> : vector<512x2048xf32>
      %dot_general3A_19 = tpu.matmul %div3A_11, %get3A_18, %dot_general3A {dimension_numbers = #tpu.dot_dimension_numbers<[1], [1], [0], [0], [0, 0, 1, 0], [], []>, transpose_lhs_hint = false} : vector<512x32xf32>, vector<2048x32xf32>, vector<512x2048xf32> -> vector<512x2048xf32>
      %slice3A = vector.extract_strided_slice %dot_general3A_19 {offsets = [0, 0], sizes = [512, 128], strides = [1, 1]} : vector<512x2048xf32> to vector<512x128xf32>
      %gt3A_20 = arith.cmpf ogt, %slice3A, %broadcast_in_dim3A_13 : vector<512x128xf32>
      %max3A_21 = arith.maximumf %broadcast_in_dim3A_13, %slice3A : vector<512x128xf32>
      %jit3A = arith.constant 0.000000e+00 : f32
      %broadcast_in_dim3A_22 = vector.broadcast %jit3A : f32 to vector<512x128xf32>
      %select_n3A = arith.select %gt3A_20, %broadcast_in_dim3A_22, %broadcast_in_dim3A_15 : vector<512x128xi1>, vector<512x128xf32>
      %slice3A_23 = vector.extract_strided_slice %dot_general3A_19 {offsets = [0, 128], sizes = [512, 128], strides = [1, 1]} : vector<512x2048xf32> to vector<512x128xf32>
      %gt3A_24 = arith.cmpf ogt, %slice3A_23, %max3A_21 : vector<512x128xf32>
      %max3A_25 = arith.maximumf %max3A_21, %slice3A_23 : vector<512x128xf32>
      %jit3A_26 = arith.constant 1.000000e+00 : f32
      %broadcast_in_dim3A_27 = vector.broadcast %jit3A_26 : f32 to vector<512x128xf32>
      %select_n3A_28 = arith.select %gt3A_24, %broadcast_in_dim3A_27, %select_n3A : vector<512x128xi1>, vector<512x128xf32>
      %slice3A_29 = vector.extract_strided_slice %dot_general3A_19 {offsets = [0, 256], sizes = [512, 128], strides = [1, 1]} : vector<512x2048xf32> to vector<512x128xf32>
      %gt3A_30 = arith.cmpf ogt, %slice3A_29, %max3A_25 : vector<512x128xf32>
      %max3A_31 = arith.maximumf %max3A_25, %slice3A_29 : vector<512x128xf32>
      %jit3A_32 = arith.constant 2.000000e+00 : f32
      %broadcast_in_dim3A_33 = vector.broadcast %jit3A_32 : f32 to vector<512x128xf32>
      %select_n3A_34 = arith.select %gt3A_30, %broadcast_in_dim3A_33, %select_n3A_28 : vector<512x128xi1>, vector<512x128xf32>
      %slice3A_35 = vector.extract_strided_slice %dot_general3A_19 {offsets = [0, 384], sizes = [512, 128], strides = [1, 1]} : vector<512x2048xf32> to vector<512x128xf32>
      %gt3A_36 = arith.cmpf ogt, %slice3A_35, %max3A_31 : vector<512x128xf32>
      %max3A_37 = arith.maximumf %max3A_31, %slice3A_35 : vector<512x128xf32>
      %jit3A_38 = arith.constant 3.000000e+00 : f32
      %broadcast_in_dim3A_39 = vector.broadcast %jit3A_38 : f32 to vector<512x128xf32>
      %select_n3A_40 = arith.select %gt3A_36, %broadcast_in_dim3A_39, %select_n3A_34 : vector<512x128xi1>, vector<512x128xf32>
      %slice3A_41 = vector.extract_strided_slice %dot_general3A_19 {offsets = [0, 512], sizes = [512, 128], strides = [1, 1]} : vector<512x2048xf32> to vector<512x128xf32>
      %gt3A_42 = arith.cmpf ogt, %slice3A_41, %max3A_37 : vector<512x128xf32>
      %max3A_43 = arith.maximumf %max3A_37, %slice3A_41 : vector<512x128xf32>
      %jit3A_44 = arith.constant 4.000000e+00 : f32
      %broadcast_in_dim3A_45 = vector.broadcast %jit3A_44 : f32 to vector<512x128xf32>
      %select_n3A_46 = arith.select %gt3A_42, %broadcast_in_dim3A_45, %select_n3A_40 : vector<512x128xi1>, vector<512x128xf32>
      %slice3A_47 = vector.extract_strided_slice %dot_general3A_19 {offsets = [0, 640], sizes = [512, 128], strides = [1, 1]} : vector<512x2048xf32> to vector<512x128xf32>
      %gt3A_48 = arith.cmpf ogt, %slice3A_47, %max3A_43 : vector<512x128xf32>
      %max3A_49 = arith.maximumf %max3A_43, %slice3A_47 : vector<512x128xf32>
      %jit3A_50 = arith.constant 5.000000e+00 : f32
      %broadcast_in_dim3A_51 = vector.broadcast %jit3A_50 : f32 to vector<512x128xf32>
      %select_n3A_52 = arith.select %gt3A_48, %broadcast_in_dim3A_51, %select_n3A_46 : vector<512x128xi1>, vector<512x128xf32>
      %slice3A_53 = vector.extract_strided_slice %dot_general3A_19 {offsets = [0, 768], sizes = [512, 128], strides = [1, 1]} : vector<512x2048xf32> to vector<512x128xf32>
      %gt3A_54 = arith.cmpf ogt, %slice3A_53, %max3A_49 : vector<512x128xf32>
      %max3A_55 = arith.maximumf %max3A_49, %slice3A_53 : vector<512x128xf32>
      %jit3A_56 = arith.constant 6.000000e+00 : f32
      %broadcast_in_dim3A_57 = vector.broadcast %jit3A_56 : f32 to vector<512x128xf32>
      %select_n3A_58 = arith.select %gt3A_54, %broadcast_in_dim3A_57, %select_n3A_52 : vector<512x128xi1>, vector<512x128xf32>
      %slice3A_59 = vector.extract_strided_slice %dot_general3A_19 {offsets = [0, 896], sizes = [512, 128], strides = [1, 1]} : vector<512x2048xf32> to vector<512x128xf32>
      %gt3A_60 = arith.cmpf ogt, %slice3A_59, %max3A_55 : vector<512x128xf32>
      %max3A_61 = arith.maximumf %max3A_55, %slice3A_59 : vector<512x128xf32>
      %jit3A_62 = arith.constant 7.000000e+00 : f32
      %broadcast_in_dim3A_63 = vector.broadcast %jit3A_62 : f32 to vector<512x128xf32>
      %select_n3A_64 = arith.select %gt3A_60, %broadcast_in_dim3A_63, %select_n3A_58 : vector<512x128xi1>, vector<512x128xf32>
      %slice3A_65 = vector.extract_strided_slice %dot_general3A_19 {offsets = [0, 1024], sizes = [512, 128], strides = [1, 1]} : vector<512x2048xf32> to vector<512x128xf32>
      %gt3A_66 = arith.cmpf ogt, %slice3A_65, %max3A_61 : vector<512x128xf32>
      %max3A_67 = arith.maximumf %max3A_61, %slice3A_65 : vector<512x128xf32>
      %jit3A_68 = arith.constant 8.000000e+00 : f32
      %broadcast_in_dim3A_69 = vector.broadcast %jit3A_68 : f32 to vector<512x128xf32>
      %select_n3A_70 = arith.select %gt3A_66, %broadcast_in_dim3A_69, %select_n3A_64 : vector<512x128xi1>, vector<512x128xf32>
      %slice3A_71 = vector.extract_strided_slice %dot_general3A_19 {offsets = [0, 1152], sizes = [512, 128], strides = [1, 1]} : vector<512x2048xf32> to vector<512x128xf32>
      %gt3A_72 = arith.cmpf ogt, %slice3A_71, %max3A_67 : vector<512x128xf32>
      %max3A_73 = arith.maximumf %max3A_67, %slice3A_71 : vector<512x128xf32>
      %jit3A_74 = arith.constant 9.000000e+00 : f32
      %broadcast_in_dim3A_75 = vector.broadcast %jit3A_74 : f32 to vector<512x128xf32>
      %select_n3A_76 = arith.select %gt3A_72, %broadcast_in_dim3A_75, %select_n3A_70 : vector<512x128xi1>, vector<512x128xf32>
      %slice3A_77 = vector.extract_strided_slice %dot_general3A_19 {offsets = [0, 1280], sizes = [512, 128], strides = [1, 1]} : vector<512x2048xf32> to vector<512x128xf32>
      %gt3A_78 = arith.cmpf ogt, %slice3A_77, %max3A_73 : vector<512x128xf32>
      %max3A_79 = arith.maximumf %max3A_73, %slice3A_77 : vector<512x128xf32>
      %jit3A_80 = arith.constant 1.000000e+01 : f32
      %broadcast_in_dim3A_81 = vector.broadcast %jit3A_80 : f32 to vector<512x128xf32>
      %select_n3A_82 = arith.select %gt3A_78, %broadcast_in_dim3A_81, %select_n3A_76 : vector<512x128xi1>, vector<512x128xf32>
      %slice3A_83 = vector.extract_strided_slice %dot_general3A_19 {offsets = [0, 1408], sizes = [512, 128], strides = [1, 1]} : vector<512x2048xf32> to vector<512x128xf32>
      %gt3A_84 = arith.cmpf ogt, %slice3A_83, %max3A_79 : vector<512x128xf32>
      %max3A_85 = arith.maximumf %max3A_79, %slice3A_83 : vector<512x128xf32>
      %jit3A_86 = arith.constant 1.100000e+01 : f32
      %broadcast_in_dim3A_87 = vector.broadcast %jit3A_86 : f32 to vector<512x128xf32>
      %select_n3A_88 = arith.select %gt3A_84, %broadcast_in_dim3A_87, %select_n3A_82 : vector<512x128xi1>, vector<512x128xf32>
      %slice3A_89 = vector.extract_strided_slice %dot_general3A_19 {offsets = [0, 1536], sizes = [512, 128], strides = [1, 1]} : vector<512x2048xf32> to vector<512x128xf32>
      %gt3A_90 = arith.cmpf ogt, %slice3A_89, %max3A_85 : vector<512x128xf32>
      %max3A_91 = arith.maximumf %max3A_85, %slice3A_89 : vector<512x128xf32>
      %jit3A_92 = arith.constant 1.200000e+01 : f32
      %broadcast_in_dim3A_93 = vector.broadcast %jit3A_92 : f32 to vector<512x128xf32>
      %select_n3A_94 = arith.select %gt3A_90, %broadcast_in_dim3A_93, %select_n3A_88 : vector<512x128xi1>, vector<512x128xf32>
      %slice3A_95 = vector.extract_strided_slice %dot_general3A_19 {offsets = [0, 1664], sizes = [512, 128], strides = [1, 1]} : vector<512x2048xf32> to vector<512x128xf32>
      %gt3A_96 = arith.cmpf ogt, %slice3A_95, %max3A_91 : vector<512x128xf32>
      %max3A_97 = arith.maximumf %max3A_91, %slice3A_95 : vector<512x128xf32>
      %jit3A_98 = arith.constant 1.300000e+01 : f32
      %broadcast_in_dim3A_99 = vector.broadcast %jit3A_98 : f32 to vector<512x128xf32>
      %select_n3A_100 = arith.select %gt3A_96, %broadcast_in_dim3A_99, %select_n3A_94 : vector<512x128xi1>, vector<512x128xf32>
      %slice3A_101 = vector.extract_strided_slice %dot_general3A_19 {offsets = [0, 1792], sizes = [512, 128], strides = [1, 1]} : vector<512x2048xf32> to vector<512x128xf32>
      %gt3A_102 = arith.cmpf ogt, %slice3A_101, %max3A_97 : vector<512x128xf32>
      %max3A_103 = arith.maximumf %max3A_97, %slice3A_101 : vector<512x128xf32>
      %jit3A_104 = arith.constant 1.400000e+01 : f32
      %broadcast_in_dim3A_105 = vector.broadcast %jit3A_104 : f32 to vector<512x128xf32>
      %select_n3A_106 = arith.select %gt3A_102, %broadcast_in_dim3A_105, %select_n3A_100 : vector<512x128xi1>, vector<512x128xf32>
      %slice3A_107 = vector.extract_strided_slice %dot_general3A_19 {offsets = [0, 1920], sizes = [512, 128], strides = [1, 1]} : vector<512x2048xf32> to vector<512x128xf32>
      %gt3A_108 = arith.cmpf ogt, %slice3A_107, %max3A_103 : vector<512x128xf32>
      %max3A_109 = arith.maximumf %max3A_103, %slice3A_107 : vector<512x128xf32>
      %jit3A_110 = arith.constant 1.500000e+01 : f32
      %broadcast_in_dim3A_111 = vector.broadcast %jit3A_110 : f32 to vector<512x128xf32>
      %select_n3A_112 = arith.select %gt3A_108, %broadcast_in_dim3A_111, %select_n3A_106 : vector<512x128xi1>, vector<512x128xf32>
      %get3A_113 = arith.constant 2048 : index
      %get3A_114 = arith.constant 0 : index
      %get3A_115 = vector.load %arg2[%get3A_113, %get3A_114] : memref<8192x32xf32, #tpu.memory_space<vmem>>, vector<2048x32xf32>
      %dot_general3A_116 = arith.constant dense<0.000000e+00> : vector<512x2048xf32>
      %dot_general3A_117 = tpu.matmul %div3A_11, %get3A_115, %dot_general3A_116 {dimension_numbers = #tpu.dot_dimension_numbers<[1], [1], [0], [0], [0, 0, 1, 0], [], []>, transpose_lhs_hint = false} : vector<512x32xf32>, vector<2048x32xf32>, vector<512x2048xf32> -> vector<512x2048xf32>
      %slice3A_118 = vector.extract_strided_slice %dot_general3A_117 {offsets = [0, 0], sizes = [512, 128], strides = [1, 1]} : vector<512x2048xf32> to vector<512x128xf32>
      %gt3A_119 = arith.cmpf ogt, %slice3A_118, %max3A_109 : vector<512x128xf32>
      %max3A_120 = arith.maximumf %max3A_109, %slice3A_118 : vector<512x128xf32>
      %jit3A_121 = arith.constant 1.600000e+01 : f32
      %broadcast_in_dim3A_122 = vector.broadcast %jit3A_121 : f32 to vector<512x128xf32>
      %select_n3A_123 = arith.select %gt3A_119, %broadcast_in_dim3A_122, %select_n3A_112 : vector<512x128xi1>, vector<512x128xf32>
      %slice3A_124 = vector.extract_strided_slice %dot_general3A_117 {offsets = [0, 128], sizes = [512, 128], strides = [1, 1]} : vector<512x2048xf32> to vector<512x128xf32>
      %gt3A_125 = arith.cmpf ogt, %slice3A_124, %max3A_120 : vector<512x128xf32>
      %max3A_126 = arith.maximumf %max3A_120, %slice3A_124 : vector<512x128xf32>
      %jit3A_127 = arith.constant 1.700000e+01 : f32
      %broadcast_in_dim3A_128 = vector.broadcast %jit3A_127 : f32 to vector<512x128xf32>
      %select_n3A_129 = arith.select %gt3A_125, %broadcast_in_dim3A_128, %select_n3A_123 : vector<512x128xi1>, vector<512x128xf32>
      %slice3A_130 = vector.extract_strided_slice %dot_general3A_117 {offsets = [0, 256], sizes = [512, 128], strides = [1, 1]} : vector<512x2048xf32> to vector<512x128xf32>
      %gt3A_131 = arith.cmpf ogt, %slice3A_130, %max3A_126 : vector<512x128xf32>
      %max3A_132 = arith.maximumf %max3A_126, %slice3A_130 : vector<512x128xf32>
      %jit3A_133 = arith.constant 1.800000e+01 : f32
      %broadcast_in_dim3A_134 = vector.broadcast %jit3A_133 : f32 to vector<512x128xf32>
      %select_n3A_135 = arith.select %gt3A_131, %broadcast_in_dim3A_134, %select_n3A_129 : vector<512x128xi1>, vector<512x128xf32>
      %slice3A_136 = vector.extract_strided_slice %dot_general3A_117 {offsets = [0, 384], sizes = [512, 128], strides = [1, 1]} : vector<512x2048xf32> to vector<512x128xf32>
      %gt3A_137 = arith.cmpf ogt, %slice3A_136, %max3A_132 : vector<512x128xf32>
      %max3A_138 = arith.maximumf %max3A_132, %slice3A_136 : vector<512x128xf32>
      %jit3A_139 = arith.constant 1.900000e+01 : f32
      %broadcast_in_dim3A_140 = vector.broadcast %jit3A_139 : f32 to vector<512x128xf32>
      %select_n3A_141 = arith.select %gt3A_137, %broadcast_in_dim3A_140, %select_n3A_135 : vector<512x128xi1>, vector<512x128xf32>
      %slice3A_142 = vector.extract_strided_slice %dot_general3A_117 {offsets = [0, 512], sizes = [512, 128], strides = [1, 1]} : vector<512x2048xf32> to vector<512x128xf32>
      %gt3A_143 = arith.cmpf ogt, %slice3A_142, %max3A_138 : vector<512x128xf32>
      %max3A_144 = arith.maximumf %max3A_138, %slice3A_142 : vector<512x128xf32>
      %jit3A_145 = arith.constant 2.000000e+01 : f32
      %broadcast_in_dim3A_146 = vector.broadcast %jit3A_145 : f32 to vector<512x128xf32>
      %select_n3A_147 = arith.select %gt3A_143, %broadcast_in_dim3A_146, %select_n3A_141 : vector<512x128xi1>, vector<512x128xf32>
      %slice3A_148 = vector.extract_strided_slice %dot_general3A_117 {offsets = [0, 640], sizes = [512, 128], strides = [1, 1]} : vector<512x2048xf32> to vector<512x128xf32>
      %gt3A_149 = arith.cmpf ogt, %slice3A_148, %max3A_144 : vector<512x128xf32>
      %max3A_150 = arith.maximumf %max3A_144, %slice3A_148 : vector<512x128xf32>
      %jit3A_151 = arith.constant 2.100000e+01 : f32
      %broadcast_in_dim3A_152 = vector.broadcast %jit3A_151 : f32 to vector<512x128xf32>
      %select_n3A_153 = arith.select %gt3A_149, %broadcast_in_dim3A_152, %select_n3A_147 : vector<512x128xi1>, vector<512x128xf32>
      %slice3A_154 = vector.extract_strided_slice %dot_general3A_117 {offsets = [0, 768], sizes = [512, 128], strides = [1, 1]} : vector<512x2048xf32> to vector<512x128xf32>
      %gt3A_155 = arith.cmpf ogt, %slice3A_154, %max3A_150 : vector<512x128xf32>
      %max3A_156 = arith.maximumf %max3A_150, %slice3A_154 : vector<512x128xf32>
      %jit3A_157 = arith.constant 2.200000e+01 : f32
      %broadcast_in_dim3A_158 = vector.broadcast %jit3A_157 : f32 to vector<512x128xf32>
      %select_n3A_159 = arith.select %gt3A_155, %broadcast_in_dim3A_158, %select_n3A_153 : vector<512x128xi1>, vector<512x128xf32>
      %slice3A_160 = vector.extract_strided_slice %dot_general3A_117 {offsets = [0, 896], sizes = [512, 128], strides = [1, 1]} : vector<512x2048xf32> to vector<512x128xf32>
      %gt3A_161 = arith.cmpf ogt, %slice3A_160, %max3A_156 : vector<512x128xf32>
      %max3A_162 = arith.maximumf %max3A_156, %slice3A_160 : vector<512x128xf32>
      %jit3A_163 = arith.constant 2.300000e+01 : f32
      %broadcast_in_dim3A_164 = vector.broadcast %jit3A_163 : f32 to vector<512x128xf32>
      %select_n3A_165 = arith.select %gt3A_161, %broadcast_in_dim3A_164, %select_n3A_159 : vector<512x128xi1>, vector<512x128xf32>
      %slice3A_166 = vector.extract_strided_slice %dot_general3A_117 {offsets = [0, 1024], sizes = [512, 128], strides = [1, 1]} : vector<512x2048xf32> to vector<512x128xf32>
      %gt3A_167 = arith.cmpf ogt, %slice3A_166, %max3A_162 : vector<512x128xf32>
      %max3A_168 = arith.maximumf %max3A_162, %slice3A_166 : vector<512x128xf32>
      %jit3A_169 = arith.constant 2.400000e+01 : f32
      %broadcast_in_dim3A_170 = vector.broadcast %jit3A_169 : f32 to vector<512x128xf32>
      %select_n3A_171 = arith.select %gt3A_167, %broadcast_in_dim3A_170, %select_n3A_165 : vector<512x128xi1>, vector<512x128xf32>
      %slice3A_172 = vector.extract_strided_slice %dot_general3A_117 {offsets = [0, 1152], sizes = [512, 128], strides = [1, 1]} : vector<512x2048xf32> to vector<512x128xf32>
      %gt3A_173 = arith.cmpf ogt, %slice3A_172, %max3A_168 : vector<512x128xf32>
      %max3A_174 = arith.maximumf %max3A_168, %slice3A_172 : vector<512x128xf32>
      %jit3A_175 = arith.constant 2.500000e+01 : f32
      %broadcast_in_dim3A_176 = vector.broadcast %jit3A_175 : f32 to vector<512x128xf32>
      %select_n3A_177 = arith.select %gt3A_173, %broadcast_in_dim3A_176, %select_n3A_171 : vector<512x128xi1>, vector<512x128xf32>
      %slice3A_178 = vector.extract_strided_slice %dot_general3A_117 {offsets = [0, 1280], sizes = [512, 128], strides = [1, 1]} : vector<512x2048xf32> to vector<512x128xf32>
      %gt3A_179 = arith.cmpf ogt, %slice3A_178, %max3A_174 : vector<512x128xf32>
      %max3A_180 = arith.maximumf %max3A_174, %slice3A_178 : vector<512x128xf32>
      %jit3A_181 = arith.constant 2.600000e+01 : f32
      %broadcast_in_dim3A_182 = vector.broadcast %jit3A_181 : f32 to vector<512x128xf32>
      %select_n3A_183 = arith.select %gt3A_179, %broadcast_in_dim3A_182, %select_n3A_177 : vector<512x128xi1>, vector<512x128xf32>
      %slice3A_184 = vector.extract_strided_slice %dot_general3A_117 {offsets = [0, 1408], sizes = [512, 128], strides = [1, 1]} : vector<512x2048xf32> to vector<512x128xf32>
      %gt3A_185 = arith.cmpf ogt, %slice3A_184, %max3A_180 : vector<512x128xf32>
      %max3A_186 = arith.maximumf %max3A_180, %slice3A_184 : vector<512x128xf32>
      %jit3A_187 = arith.constant 2.700000e+01 : f32
      %broadcast_in_dim3A_188 = vector.broadcast %jit3A_187 : f32 to vector<512x128xf32>
      %select_n3A_189 = arith.select %gt3A_185, %broadcast_in_dim3A_188, %select_n3A_183 : vector<512x128xi1>, vector<512x128xf32>
      %slice3A_190 = vector.extract_strided_slice %dot_general3A_117 {offsets = [0, 1536], sizes = [512, 128], strides = [1, 1]} : vector<512x2048xf32> to vector<512x128xf32>
      %gt3A_191 = arith.cmpf ogt, %slice3A_190, %max3A_186 : vector<512x128xf32>
      %max3A_192 = arith.maximumf %max3A_186, %slice3A_190 : vector<512x128xf32>
      %jit3A_193 = arith.constant 2.800000e+01 : f32
      %broadcast_in_dim3A_194 = vector.broadcast %jit3A_193 : f32 to vector<512x128xf32>
      %select_n3A_195 = arith.select %gt3A_191, %broadcast_in_dim3A_194, %select_n3A_189 : vector<512x128xi1>, vector<512x128xf32>
      %slice3A_196 = vector.extract_strided_slice %dot_general3A_117 {offsets = [0, 1664], sizes = [512, 128], strides = [1, 1]} : vector<512x2048xf32> to vector<512x128xf32>
      %gt3A_197 = arith.cmpf ogt, %slice3A_196, %max3A_192 : vector<512x128xf32>
      %max3A_198 = arith.maximumf %max3A_192, %slice3A_196 : vector<512x128xf32>
      %jit3A_199 = arith.constant 2.900000e+01 : f32
      %broadcast_in_dim3A_200 = vector.broadcast %jit3A_199 : f32 to vector<512x128xf32>
      %select_n3A_201 = arith.select %gt3A_197, %broadcast_in_dim3A_200, %select_n3A_195 : vector<512x128xi1>, vector<512x128xf32>
      %slice3A_202 = vector.extract_strided_slice %dot_general3A_117 {offsets = [0, 1792], sizes = [512, 128], strides = [1, 1]} : vector<512x2048xf32> to vector<512x128xf32>
      %gt3A_203 = arith.cmpf ogt, %slice3A_202, %max3A_198 : vector<512x128xf32>
      %max3A_204 = arith.maximumf %max3A_198, %slice3A_202 : vector<512x128xf32>
      %jit3A_205 = arith.constant 3.000000e+01 : f32
      %broadcast_in_dim3A_206 = vector.broadcast %jit3A_205 : f32 to vector<512x128xf32>
      %select_n3A_207 = arith.select %gt3A_203, %broadcast_in_dim3A_206, %select_n3A_201 : vector<512x128xi1>, vector<512x128xf32>
      %slice3A_208 = vector.extract_strided_slice %dot_general3A_117 {offsets = [0, 1920], sizes = [512, 128], strides = [1, 1]} : vector<512x2048xf32> to vector<512x128xf32>
      %gt3A_209 = arith.cmpf ogt, %slice3A_208, %max3A_204 : vector<512x128xf32>
      %max3A_210 = arith.maximumf %max3A_204, %slice3A_208 : vector<512x128xf32>
      %jit3A_211 = arith.constant 3.100000e+01 : f32
      %broadcast_in_dim3A_212 = vector.broadcast %jit3A_211 : f32 to vector<512x128xf32>
      %select_n3A_213 = arith.select %gt3A_209, %broadcast_in_dim3A_212, %select_n3A_207 : vector<512x128xi1>, vector<512x128xf32>
      %broadcast_in_dim3A_214 = arith.constant 0xFF800000 : f32
      %broadcast_in_dim3A_215 = vector.broadcast %broadcast_in_dim3A_214 : f32 to vector<512x128xf32>
      %broadcast_in_dim3A_216 = arith.constant 0.000000e+00 : f32
      %broadcast_in_dim3A_217 = vector.broadcast %broadcast_in_dim3A_216 : f32 to vector<512x128xf32>
      %get3A_218 = arith.constant 4096 : index
      %get3A_219 = arith.constant 0 : index
      %get3A_220 = vector.load %arg2[%get3A_218, %get3A_219] : memref<8192x32xf32, #tpu.memory_space<vmem>>, vector<2048x32xf32>
      %dot_general3A_221 = arith.constant dense<0.000000e+00> : vector<512x2048xf32>
      %dot_general3A_222 = tpu.matmul %div3A_11, %get3A_220, %dot_general3A_221 {dimension_numbers = #tpu.dot_dimension_numbers<[1], [1], [0], [0], [0, 0, 1, 0], [], []>, transpose_lhs_hint = false} : vector<512x32xf32>, vector<2048x32xf32>, vector<512x2048xf32> -> vector<512x2048xf32>
      %slice3A_223 = vector.extract_strided_slice %dot_general3A_222 {offsets = [0, 0], sizes = [512, 128], strides = [1, 1]} : vector<512x2048xf32> to vector<512x128xf32>
      %gt3A_224 = arith.cmpf ogt, %slice3A_223, %broadcast_in_dim3A_215 : vector<512x128xf32>
      %max3A_225 = arith.maximumf %broadcast_in_dim3A_215, %slice3A_223 : vector<512x128xf32>
      %jit3A_226 = arith.constant 3.200000e+01 : f32
      %broadcast_in_dim3A_227 = vector.broadcast %jit3A_226 : f32 to vector<512x128xf32>
      %select_n3A_228 = arith.select %gt3A_224, %broadcast_in_dim3A_227, %broadcast_in_dim3A_217 : vector<512x128xi1>, vector<512x128xf32>
      %slice3A_229 = vector.extract_strided_slice %dot_general3A_222 {offsets = [0, 128], sizes = [512, 128], strides = [1, 1]} : vector<512x2048xf32> to vector<512x128xf32>
      %gt3A_230 = arith.cmpf ogt, %slice3A_229, %max3A_225 : vector<512x128xf32>
      %max3A_231 = arith.maximumf %max3A_225, %slice3A_229 : vector<512x128xf32>
      %jit3A_232 = arith.constant 3.300000e+01 : f32
      %broadcast_in_dim3A_233 = vector.broadcast %jit3A_232 : f32 to vector<512x128xf32>
      %select_n3A_234 = arith.select %gt3A_230, %broadcast_in_dim3A_233, %select_n3A_228 : vector<512x128xi1>, vector<512x128xf32>
      %slice3A_235 = vector.extract_strided_slice %dot_general3A_222 {offsets = [0, 256], sizes = [512, 128], strides = [1, 1]} : vector<512x2048xf32> to vector<512x128xf32>
      %gt3A_236 = arith.cmpf ogt, %slice3A_235, %max3A_231 : vector<512x128xf32>
      %max3A_237 = arith.maximumf %max3A_231, %slice3A_235 : vector<512x128xf32>
      %jit3A_238 = arith.constant 3.400000e+01 : f32
      %broadcast_in_dim3A_239 = vector.broadcast %jit3A_238 : f32 to vector<512x128xf32>
      %select_n3A_240 = arith.select %gt3A_236, %broadcast_in_dim3A_239, %select_n3A_234 : vector<512x128xi1>, vector<512x128xf32>
      %slice3A_241 = vector.extract_strided_slice %dot_general3A_222 {offsets = [0, 384], sizes = [512, 128], strides = [1, 1]} : vector<512x2048xf32> to vector<512x128xf32>
      %gt3A_242 = arith.cmpf ogt, %slice3A_241, %max3A_237 : vector<512x128xf32>
      %max3A_243 = arith.maximumf %max3A_237, %slice3A_241 : vector<512x128xf32>
      %jit3A_244 = arith.constant 3.500000e+01 : f32
      %broadcast_in_dim3A_245 = vector.broadcast %jit3A_244 : f32 to vector<512x128xf32>
      %select_n3A_246 = arith.select %gt3A_242, %broadcast_in_dim3A_245, %select_n3A_240 : vector<512x128xi1>, vector<512x128xf32>
      %slice3A_247 = vector.extract_strided_slice %dot_general3A_222 {offsets = [0, 512], sizes = [512, 128], strides = [1, 1]} : vector<512x2048xf32> to vector<512x128xf32>
      %gt3A_248 = arith.cmpf ogt, %slice3A_247, %max3A_243 : vector<512x128xf32>
      %max3A_249 = arith.maximumf %max3A_243, %slice3A_247 : vector<512x128xf32>
      %jit3A_250 = arith.constant 3.600000e+01 : f32
      %broadcast_in_dim3A_251 = vector.broadcast %jit3A_250 : f32 to vector<512x128xf32>
      %select_n3A_252 = arith.select %gt3A_248, %broadcast_in_dim3A_251, %select_n3A_246 : vector<512x128xi1>, vector<512x128xf32>
      %slice3A_253 = vector.extract_strided_slice %dot_general3A_222 {offsets = [0, 640], sizes = [512, 128], strides = [1, 1]} : vector<512x2048xf32> to vector<512x128xf32>
      %gt3A_254 = arith.cmpf ogt, %slice3A_253, %max3A_249 : vector<512x128xf32>
      %max3A_255 = arith.maximumf %max3A_249, %slice3A_253 : vector<512x128xf32>
      %jit3A_256 = arith.constant 3.700000e+01 : f32
      %broadcast_in_dim3A_257 = vector.broadcast %jit3A_256 : f32 to vector<512x128xf32>
      %select_n3A_258 = arith.select %gt3A_254, %broadcast_in_dim3A_257, %select_n3A_252 : vector<512x128xi1>, vector<512x128xf32>
      %slice3A_259 = vector.extract_strided_slice %dot_general3A_222 {offsets = [0, 768], sizes = [512, 128], strides = [1, 1]} : vector<512x2048xf32> to vector<512x128xf32>
      %gt3A_260 = arith.cmpf ogt, %slice3A_259, %max3A_255 : vector<512x128xf32>
      %max3A_261 = arith.maximumf %max3A_255, %slice3A_259 : vector<512x128xf32>
      %jit3A_262 = arith.constant 3.800000e+01 : f32
      %broadcast_in_dim3A_263 = vector.broadcast %jit3A_262 : f32 to vector<512x128xf32>
      %select_n3A_264 = arith.select %gt3A_260, %broadcast_in_dim3A_263, %select_n3A_258 : vector<512x128xi1>, vector<512x128xf32>
      %slice3A_265 = vector.extract_strided_slice %dot_general3A_222 {offsets = [0, 896], sizes = [512, 128], strides = [1, 1]} : vector<512x2048xf32> to vector<512x128xf32>
      %gt3A_266 = arith.cmpf ogt, %slice3A_265, %max3A_261 : vector<512x128xf32>
      %max3A_267 = arith.maximumf %max3A_261, %slice3A_265 : vector<512x128xf32>
      %jit3A_268 = arith.constant 3.900000e+01 : f32
      %broadcast_in_dim3A_269 = vector.broadcast %jit3A_268 : f32 to vector<512x128xf32>
      %select_n3A_270 = arith.select %gt3A_266, %broadcast_in_dim3A_269, %select_n3A_264 : vector<512x128xi1>, vector<512x128xf32>
      %slice3A_271 = vector.extract_strided_slice %dot_general3A_222 {offsets = [0, 1024], sizes = [512, 128], strides = [1, 1]} : vector<512x2048xf32> to vector<512x128xf32>
      %gt3A_272 = arith.cmpf ogt, %slice3A_271, %max3A_267 : vector<512x128xf32>
      %max3A_273 = arith.maximumf %max3A_267, %slice3A_271 : vector<512x128xf32>
      %jit3A_274 = arith.constant 4.000000e+01 : f32
      %broadcast_in_dim3A_275 = vector.broadcast %jit3A_274 : f32 to vector<512x128xf32>
      %select_n3A_276 = arith.select %gt3A_272, %broadcast_in_dim3A_275, %select_n3A_270 : vector<512x128xi1>, vector<512x128xf32>
      %slice3A_277 = vector.extract_strided_slice %dot_general3A_222 {offsets = [0, 1152], sizes = [512, 128], strides = [1, 1]} : vector<512x2048xf32> to vector<512x128xf32>
      %gt3A_278 = arith.cmpf ogt, %slice3A_277, %max3A_273 : vector<512x128xf32>
      %max3A_279 = arith.maximumf %max3A_273, %slice3A_277 : vector<512x128xf32>
      %jit3A_280 = arith.constant 4.100000e+01 : f32
      %broadcast_in_dim3A_281 = vector.broadcast %jit3A_280 : f32 to vector<512x128xf32>
      %select_n3A_282 = arith.select %gt3A_278, %broadcast_in_dim3A_281, %select_n3A_276 : vector<512x128xi1>, vector<512x128xf32>
      %slice3A_283 = vector.extract_strided_slice %dot_general3A_222 {offsets = [0, 1280], sizes = [512, 128], strides = [1, 1]} : vector<512x2048xf32> to vector<512x128xf32>
      %gt3A_284 = arith.cmpf ogt, %slice3A_283, %max3A_279 : vector<512x128xf32>
      %max3A_285 = arith.maximumf %max3A_279, %slice3A_283 : vector<512x128xf32>
      %jit3A_286 = arith.constant 4.200000e+01 : f32
      %broadcast_in_dim3A_287 = vector.broadcast %jit3A_286 : f32 to vector<512x128xf32>
      %select_n3A_288 = arith.select %gt3A_284, %broadcast_in_dim3A_287, %select_n3A_282 : vector<512x128xi1>, vector<512x128xf32>
      %slice3A_289 = vector.extract_strided_slice %dot_general3A_222 {offsets = [0, 1408], sizes = [512, 128], strides = [1, 1]} : vector<512x2048xf32> to vector<512x128xf32>
      %gt3A_290 = arith.cmpf ogt, %slice3A_289, %max3A_285 : vector<512x128xf32>
      %max3A_291 = arith.maximumf %max3A_285, %slice3A_289 : vector<512x128xf32>
      %jit3A_292 = arith.constant 4.300000e+01 : f32
      %broadcast_in_dim3A_293 = vector.broadcast %jit3A_292 : f32 to vector<512x128xf32>
      %select_n3A_294 = arith.select %gt3A_290, %broadcast_in_dim3A_293, %select_n3A_288 : vector<512x128xi1>, vector<512x128xf32>
      %slice3A_295 = vector.extract_strided_slice %dot_general3A_222 {offsets = [0, 1536], sizes = [512, 128], strides = [1, 1]} : vector<512x2048xf32> to vector<512x128xf32>
      %gt3A_296 = arith.cmpf ogt, %slice3A_295, %max3A_291 : vector<512x128xf32>
      %max3A_297 = arith.maximumf %max3A_291, %slice3A_295 : vector<512x128xf32>
      %jit3A_298 = arith.constant 4.400000e+01 : f32
      %broadcast_in_dim3A_299 = vector.broadcast %jit3A_298 : f32 to vector<512x128xf32>
      %select_n3A_300 = arith.select %gt3A_296, %broadcast_in_dim3A_299, %select_n3A_294 : vector<512x128xi1>, vector<512x128xf32>
      %slice3A_301 = vector.extract_strided_slice %dot_general3A_222 {offsets = [0, 1664], sizes = [512, 128], strides = [1, 1]} : vector<512x2048xf32> to vector<512x128xf32>
      %gt3A_302 = arith.cmpf ogt, %slice3A_301, %max3A_297 : vector<512x128xf32>
      %max3A_303 = arith.maximumf %max3A_297, %slice3A_301 : vector<512x128xf32>
      %jit3A_304 = arith.constant 4.500000e+01 : f32
      %broadcast_in_dim3A_305 = vector.broadcast %jit3A_304 : f32 to vector<512x128xf32>
      %select_n3A_306 = arith.select %gt3A_302, %broadcast_in_dim3A_305, %select_n3A_300 : vector<512x128xi1>, vector<512x128xf32>
      %slice3A_307 = vector.extract_strided_slice %dot_general3A_222 {offsets = [0, 1792], sizes = [512, 128], strides = [1, 1]} : vector<512x2048xf32> to vector<512x128xf32>
      %gt3A_308 = arith.cmpf ogt, %slice3A_307, %max3A_303 : vector<512x128xf32>
      %max3A_309 = arith.maximumf %max3A_303, %slice3A_307 : vector<512x128xf32>
      %jit3A_310 = arith.constant 4.600000e+01 : f32
      %broadcast_in_dim3A_311 = vector.broadcast %jit3A_310 : f32 to vector<512x128xf32>
      %select_n3A_312 = arith.select %gt3A_308, %broadcast_in_dim3A_311, %select_n3A_306 : vector<512x128xi1>, vector<512x128xf32>
      %slice3A_313 = vector.extract_strided_slice %dot_general3A_222 {offsets = [0, 1920], sizes = [512, 128], strides = [1, 1]} : vector<512x2048xf32> to vector<512x128xf32>
      %gt3A_314 = arith.cmpf ogt, %slice3A_313, %max3A_309 : vector<512x128xf32>
      %max3A_315 = arith.maximumf %max3A_309, %slice3A_313 : vector<512x128xf32>
      %jit3A_316 = arith.constant 4.700000e+01 : f32
      %broadcast_in_dim3A_317 = vector.broadcast %jit3A_316 : f32 to vector<512x128xf32>
      %select_n3A_318 = arith.select %gt3A_314, %broadcast_in_dim3A_317, %select_n3A_312 : vector<512x128xi1>, vector<512x128xf32>
      %get3A_319 = arith.constant 6144 : index
      %get3A_320 = arith.constant 0 : index
      %get3A_321 = vector.load %arg2[%get3A_319, %get3A_320] : memref<8192x32xf32, #tpu.memory_space<vmem>>, vector<2048x32xf32>
      %dot_general3A_322 = arith.constant dense<0.000000e+00> : vector<512x2048xf32>
      %dot_general3A_323 = tpu.matmul %div3A_11, %get3A_321, %dot_general3A_322 {dimension_numbers = #tpu.dot_dimension_numbers<[1], [1], [0], [0], [0, 0, 1, 0], [], []>, transpose_lhs_hint = false} : vector<512x32xf32>, vector<2048x32xf32>, vector<512x2048xf32> -> vector<512x2048xf32>
      %slice3A_324 = vector.extract_strided_slice %dot_general3A_323 {offsets = [0, 0], sizes = [512, 128], strides = [1, 1]} : vector<512x2048xf32> to vector<512x128xf32>
      %gt3A_325 = arith.cmpf ogt, %slice3A_324, %max3A_315 : vector<512x128xf32>
      %max3A_326 = arith.maximumf %max3A_315, %slice3A_324 : vector<512x128xf32>
      %jit3A_327 = arith.constant 4.800000e+01 : f32
      %broadcast_in_dim3A_328 = vector.broadcast %jit3A_327 : f32 to vector<512x128xf32>
      %select_n3A_329 = arith.select %gt3A_325, %broadcast_in_dim3A_328, %select_n3A_318 : vector<512x128xi1>, vector<512x128xf32>
      %slice3A_330 = vector.extract_strided_slice %dot_general3A_323 {offsets = [0, 128], sizes = [512, 128], strides = [1, 1]} : vector<512x2048xf32> to vector<512x128xf32>
      %gt3A_331 = arith.cmpf ogt, %slice3A_330, %max3A_326 : vector<512x128xf32>
      %max3A_332 = arith.maximumf %max3A_326, %slice3A_330 : vector<512x128xf32>
      %jit3A_333 = arith.constant 4.900000e+01 : f32
      %broadcast_in_dim3A_334 = vector.broadcast %jit3A_333 : f32 to vector<512x128xf32>
      %select_n3A_335 = arith.select %gt3A_331, %broadcast_in_dim3A_334, %select_n3A_329 : vector<512x128xi1>, vector<512x128xf32>
      %slice3A_336 = vector.extract_strided_slice %dot_general3A_323 {offsets = [0, 256], sizes = [512, 128], strides = [1, 1]} : vector<512x2048xf32> to vector<512x128xf32>
      %gt3A_337 = arith.cmpf ogt, %slice3A_336, %max3A_332 : vector<512x128xf32>
      %max3A_338 = arith.maximumf %max3A_332, %slice3A_336 : vector<512x128xf32>
      %jit3A_339 = arith.constant 5.000000e+01 : f32
      %broadcast_in_dim3A_340 = vector.broadcast %jit3A_339 : f32 to vector<512x128xf32>
      %select_n3A_341 = arith.select %gt3A_337, %broadcast_in_dim3A_340, %select_n3A_335 : vector<512x128xi1>, vector<512x128xf32>
      %slice3A_342 = vector.extract_strided_slice %dot_general3A_323 {offsets = [0, 384], sizes = [512, 128], strides = [1, 1]} : vector<512x2048xf32> to vector<512x128xf32>
      %gt3A_343 = arith.cmpf ogt, %slice3A_342, %max3A_338 : vector<512x128xf32>
      %max3A_344 = arith.maximumf %max3A_338, %slice3A_342 : vector<512x128xf32>
      %jit3A_345 = arith.constant 5.100000e+01 : f32
      %broadcast_in_dim3A_346 = vector.broadcast %jit3A_345 : f32 to vector<512x128xf32>
      %select_n3A_347 = arith.select %gt3A_343, %broadcast_in_dim3A_346, %select_n3A_341 : vector<512x128xi1>, vector<512x128xf32>
      %slice3A_348 = vector.extract_strided_slice %dot_general3A_323 {offsets = [0, 512], sizes = [512, 128], strides = [1, 1]} : vector<512x2048xf32> to vector<512x128xf32>
      %gt3A_349 = arith.cmpf ogt, %slice3A_348, %max3A_344 : vector<512x128xf32>
      %max3A_350 = arith.maximumf %max3A_344, %slice3A_348 : vector<512x128xf32>
      %jit3A_351 = arith.constant 5.200000e+01 : f32
      %broadcast_in_dim3A_352 = vector.broadcast %jit3A_351 : f32 to vector<512x128xf32>
      %select_n3A_353 = arith.select %gt3A_349, %broadcast_in_dim3A_352, %select_n3A_347 : vector<512x128xi1>, vector<512x128xf32>
      %slice3A_354 = vector.extract_strided_slice %dot_general3A_323 {offsets = [0, 640], sizes = [512, 128], strides = [1, 1]} : vector<512x2048xf32> to vector<512x128xf32>
      %gt3A_355 = arith.cmpf ogt, %slice3A_354, %max3A_350 : vector<512x128xf32>
      %max3A_356 = arith.maximumf %max3A_350, %slice3A_354 : vector<512x128xf32>
      %jit3A_357 = arith.constant 5.300000e+01 : f32
      %broadcast_in_dim3A_358 = vector.broadcast %jit3A_357 : f32 to vector<512x128xf32>
      %select_n3A_359 = arith.select %gt3A_355, %broadcast_in_dim3A_358, %select_n3A_353 : vector<512x128xi1>, vector<512x128xf32>
      %slice3A_360 = vector.extract_strided_slice %dot_general3A_323 {offsets = [0, 768], sizes = [512, 128], strides = [1, 1]} : vector<512x2048xf32> to vector<512x128xf32>
      %gt3A_361 = arith.cmpf ogt, %slice3A_360, %max3A_356 : vector<512x128xf32>
      %max3A_362 = arith.maximumf %max3A_356, %slice3A_360 : vector<512x128xf32>
      %jit3A_363 = arith.constant 5.400000e+01 : f32
      %broadcast_in_dim3A_364 = vector.broadcast %jit3A_363 : f32 to vector<512x128xf32>
      %select_n3A_365 = arith.select %gt3A_361, %broadcast_in_dim3A_364, %select_n3A_359 : vector<512x128xi1>, vector<512x128xf32>
      %slice3A_366 = vector.extract_strided_slice %dot_general3A_323 {offsets = [0, 896], sizes = [512, 128], strides = [1, 1]} : vector<512x2048xf32> to vector<512x128xf32>
      %gt3A_367 = arith.cmpf ogt, %slice3A_366, %max3A_362 : vector<512x128xf32>
      %max3A_368 = arith.maximumf %max3A_362, %slice3A_366 : vector<512x128xf32>
      %jit3A_369 = arith.constant 5.500000e+01 : f32
      %broadcast_in_dim3A_370 = vector.broadcast %jit3A_369 : f32 to vector<512x128xf32>
      %select_n3A_371 = arith.select %gt3A_367, %broadcast_in_dim3A_370, %select_n3A_365 : vector<512x128xi1>, vector<512x128xf32>
      %slice3A_372 = vector.extract_strided_slice %dot_general3A_323 {offsets = [0, 1024], sizes = [512, 128], strides = [1, 1]} : vector<512x2048xf32> to vector<512x128xf32>
      %gt3A_373 = arith.cmpf ogt, %slice3A_372, %max3A_368 : vector<512x128xf32>
      %max3A_374 = arith.maximumf %max3A_368, %slice3A_372 : vector<512x128xf32>
      %jit3A_375 = arith.constant 5.600000e+01 : f32
      %broadcast_in_dim3A_376 = vector.broadcast %jit3A_375 : f32 to vector<512x128xf32>
      %select_n3A_377 = arith.select %gt3A_373, %broadcast_in_dim3A_376, %select_n3A_371 : vector<512x128xi1>, vector<512x128xf32>
      %slice3A_378 = vector.extract_strided_slice %dot_general3A_323 {offsets = [0, 1152], sizes = [512, 128], strides = [1, 1]} : vector<512x2048xf32> to vector<512x128xf32>
      %gt3A_379 = arith.cmpf ogt, %slice3A_378, %max3A_374 : vector<512x128xf32>
      %max3A_380 = arith.maximumf %max3A_374, %slice3A_378 : vector<512x128xf32>
      %jit3A_381 = arith.constant 5.700000e+01 : f32
      %broadcast_in_dim3A_382 = vector.broadcast %jit3A_381 : f32 to vector<512x128xf32>
      %select_n3A_383 = arith.select %gt3A_379, %broadcast_in_dim3A_382, %select_n3A_377 : vector<512x128xi1>, vector<512x128xf32>
      %slice3A_384 = vector.extract_strided_slice %dot_general3A_323 {offsets = [0, 1280], sizes = [512, 128], strides = [1, 1]} : vector<512x2048xf32> to vector<512x128xf32>
      %gt3A_385 = arith.cmpf ogt, %slice3A_384, %max3A_380 : vector<512x128xf32>
      %max3A_386 = arith.maximumf %max3A_380, %slice3A_384 : vector<512x128xf32>
      %jit3A_387 = arith.constant 5.800000e+01 : f32
      %broadcast_in_dim3A_388 = vector.broadcast %jit3A_387 : f32 to vector<512x128xf32>
      %select_n3A_389 = arith.select %gt3A_385, %broadcast_in_dim3A_388, %select_n3A_383 : vector<512x128xi1>, vector<512x128xf32>
      %slice3A_390 = vector.extract_strided_slice %dot_general3A_323 {offsets = [0, 1408], sizes = [512, 128], strides = [1, 1]} : vector<512x2048xf32> to vector<512x128xf32>
      %gt3A_391 = arith.cmpf ogt, %slice3A_390, %max3A_386 : vector<512x128xf32>
      %max3A_392 = arith.maximumf %max3A_386, %slice3A_390 : vector<512x128xf32>
      %jit3A_393 = arith.constant 5.900000e+01 : f32
      %broadcast_in_dim3A_394 = vector.broadcast %jit3A_393 : f32 to vector<512x128xf32>
      %select_n3A_395 = arith.select %gt3A_391, %broadcast_in_dim3A_394, %select_n3A_389 : vector<512x128xi1>, vector<512x128xf32>
      %slice3A_396 = vector.extract_strided_slice %dot_general3A_323 {offsets = [0, 1536], sizes = [512, 128], strides = [1, 1]} : vector<512x2048xf32> to vector<512x128xf32>
      %gt3A_397 = arith.cmpf ogt, %slice3A_396, %max3A_392 : vector<512x128xf32>
      %max3A_398 = arith.maximumf %max3A_392, %slice3A_396 : vector<512x128xf32>
      %jit3A_399 = arith.constant 6.000000e+01 : f32
      %broadcast_in_dim3A_400 = vector.broadcast %jit3A_399 : f32 to vector<512x128xf32>
      %select_n3A_401 = arith.select %gt3A_397, %broadcast_in_dim3A_400, %select_n3A_395 : vector<512x128xi1>, vector<512x128xf32>
      %slice3A_402 = vector.extract_strided_slice %dot_general3A_323 {offsets = [0, 1664], sizes = [512, 128], strides = [1, 1]} : vector<512x2048xf32> to vector<512x128xf32>
      %gt3A_403 = arith.cmpf ogt, %slice3A_402, %max3A_398 : vector<512x128xf32>
      %max3A_404 = arith.maximumf %max3A_398, %slice3A_402 : vector<512x128xf32>
      %jit3A_405 = arith.constant 6.100000e+01 : f32
      %broadcast_in_dim3A_406 = vector.broadcast %jit3A_405 : f32 to vector<512x128xf32>
      %select_n3A_407 = arith.select %gt3A_403, %broadcast_in_dim3A_406, %select_n3A_401 : vector<512x128xi1>, vector<512x128xf32>
      %slice3A_408 = vector.extract_strided_slice %dot_general3A_323 {offsets = [0, 1792], sizes = [512, 128], strides = [1, 1]} : vector<512x2048xf32> to vector<512x128xf32>
      %gt3A_409 = arith.cmpf ogt, %slice3A_408, %max3A_404 : vector<512x128xf32>
      %max3A_410 = arith.maximumf %max3A_404, %slice3A_408 : vector<512x128xf32>
      %jit3A_411 = arith.constant 6.200000e+01 : f32
      %broadcast_in_dim3A_412 = vector.broadcast %jit3A_411 : f32 to vector<512x128xf32>
      %select_n3A_413 = arith.select %gt3A_409, %broadcast_in_dim3A_412, %select_n3A_407 : vector<512x128xi1>, vector<512x128xf32>
      %slice3A_414 = vector.extract_strided_slice %dot_general3A_323 {offsets = [0, 1920], sizes = [512, 128], strides = [1, 1]} : vector<512x2048xf32> to vector<512x128xf32>
      %gt3A_415 = arith.cmpf ogt, %slice3A_414, %max3A_410 : vector<512x128xf32>
      %max3A_416 = arith.maximumf %max3A_410, %slice3A_414 : vector<512x128xf32>
      %jit3A_417 = arith.constant 6.300000e+01 : f32
      %broadcast_in_dim3A_418 = vector.broadcast %jit3A_417 : f32 to vector<512x128xf32>
      %select_n3A_419 = arith.select %gt3A_415, %broadcast_in_dim3A_418, %select_n3A_413 : vector<512x128xi1>, vector<512x128xf32>
      %gt3A_420 = arith.cmpf ogt, %max3A_416, %max3A_210 : vector<512x128xf32>
      %max3A_421 = arith.maximumf %max3A_210, %max3A_416 : vector<512x128xf32>
      %jit3A_422 = arith.constant 2 : i32
      %eq3A = arith.constant 0 : i32
      %eq3A_423 = arith.cmpi eq, %jit3A_422, %eq3A : i32
      %jit3A_424 = arith.constant 1 : i32
      %select_n3A_425 = arith.select %eq3A_423, %jit3A_424, %jit3A_422 : i32
      %rem3A = arith.remsi %arg0, %select_n3A_425 : i32
      %ne3A = arith.constant 0 : i32
      %ne3A_426 = arith.cmpi ne, %rem3A, %ne3A : i32
      %lt3A_427 = arith.constant 0 : i32
      %lt3A_428 = arith.cmpi slt, %rem3A, %lt3A_427 : i32
      %lt3A_429 = arith.constant 0 : i32
      %lt3A_430 = arith.cmpi slt, %select_n3A_425, %lt3A_429 : i32
      %ne3A_431 = arith.xori %lt3A_428, %lt3A_430 : i1
      %and3A = arith.andi %ne3A_431, %ne3A_426 : i1
      %add3A = arith.addi %rem3A, %select_n3A_425 : i32
      %select_n3A_432 = arith.select %and3A, %add3A, %rem3A : i32
      %swap3A = arith.index_cast %select_n3A_432 : i32 to index
      %swap3A_433 = arith.constant 0 : index
      %swap3A_434 = arith.constant 0 : index
      %swap3A_435 = vector.load %arg4[%swap3A, %swap3A_433, %swap3A_434] : memref<2x512x128xf32, #tpu.memory_space<vmem>>, vector<1x512x128xf32>
      %swap3A_436 = vector.shape_cast %swap3A_435 : vector<1x512x128xf32> to vector<512x128xf32>
      %swap3A_437 = vector.shape_cast %max3A_421 : vector<512x128xf32> to vector<1x512x128xf32>
      tpu.vector_store %arg4[%swap3A, %swap3A_433, %swap3A_434], %swap3A_437 {strides = array<i32>} : memref<2x512x128xf32, #tpu.memory_space<vmem>>, vector<1x512x128xf32>,
      %select_n3A_438 = arith.select %gt3A_420, %select_n3A_419, %select_n3A_213 : vector<512x128xi1>, vector<512x128xf32>
      %jit3A_439 = arith.constant 2 : i32
      %eq3A_440 = arith.constant 0 : i32
      %eq3A_441 = arith.cmpi eq, %jit3A_439, %eq3A_440 : i32
      %jit3A_442 = arith.constant 1 : i32
      %select_n3A_443 = arith.select %eq3A_441, %jit3A_442, %jit3A_439 : i32
      %rem3A_444 = arith.remsi %arg0, %select_n3A_443 : i32
      %ne3A_445 = arith.constant 0 : i32
      %ne3A_446 = arith.cmpi ne, %rem3A_444, %ne3A_445 : i32
      %lt3A_447 = arith.constant 0 : i32
      %lt3A_448 = arith.cmpi slt, %rem3A_444, %lt3A_447 : i32
      %lt3A_449 = arith.constant 0 : i32
      %lt3A_450 = arith.cmpi slt, %select_n3A_443, %lt3A_449 : i32
      %ne3A_451 = arith.xori %lt3A_448, %lt3A_450 : i1
      %and3A_452 = arith.andi %ne3A_451, %ne3A_446 : i1
      %add3A_453 = arith.addi %rem3A_444, %select_n3A_443 : i32
      %select_n3A_454 = arith.select %and3A_452, %add3A_453, %rem3A_444 : i32
      %swap3A_455 = arith.index_cast %select_n3A_454 : i32 to index
      %swap3A_456 = arith.constant 0 : index
      %swap3A_457 = arith.constant 0 : index
      %swap3A_458 = vector.load %arg5[%swap3A_455, %swap3A_456, %swap3A_457] : memref<2x512x128xf32, #tpu.memory_space<vmem>>, vector<1x512x128xf32>
      %swap3A_459 = vector.shape_cast %swap3A_458 : vector<1x512x128xf32> to vector<512x128xf32>
      %swap3A_460 = vector.shape_cast %select_n3A_438 : vector<512x128xf32> to vector<1x512x128xf32>
      tpu.vector_store %arg5[%swap3A_455, %swap3A_456, %swap3A_457], %swap3A_460 {strides = array<i32>} : memref<2x512x128xf32, #tpu.memory_space<vmem>>, vector<1x512x128xf32>,
    } else {
    }
    %gt3A = arith.constant 0 : i32
    %gt3A_2 = arith.cmpi sgt, %arg0, %gt3A : i32
    %convert_element_type3A_3 = arith.extui %gt3A_2 : i1 to i32
    %cond3A_4 = arith.constant 0 : i32
    %cond3A_5 = arith.cmpi ne, %convert_element_type3A_3, %cond3A_4 : i32
    scf.if %cond3A_5 {
      %add3A = arith.constant 1 : i32
      %add3A_6 = arith.addi %arg0, %add3A : i32
      %jit3A = arith.constant 2 : i32
      %eq3A = arith.constant 0 : i32
      %eq3A_7 = arith.cmpi eq, %jit3A, %eq3A : i32
      %jit3A_8 = arith.constant 1 : i32
      %select_n3A = arith.select %eq3A_7, %jit3A_8, %jit3A : i32
      %rem3A = arith.remsi %add3A_6, %select_n3A : i32
      %ne3A = arith.constant 0 : i32
      %ne3A_9 = arith.cmpi ne, %rem3A, %ne3A : i32
      %lt3A_10 = arith.constant 0 : i32
      %lt3A_11 = arith.cmpi slt, %rem3A, %lt3A_10 : i32
      %lt3A_12 = arith.constant 0 : i32
      %lt3A_13 = arith.cmpi slt, %select_n3A, %lt3A_12 : i32
      %ne3A_14 = arith.xori %lt3A_11, %lt3A_13 : i1
      %and3A = arith.andi %ne3A_14, %ne3A_9 : i1
      %add3A_15 = arith.addi %rem3A, %select_n3A : i32
      %select_n3A_16 = arith.select %and3A, %add3A_15, %rem3A : i32
      %get3A = arith.index_cast %select_n3A_16 : i32 to index
      %get3A_17 = arith.constant 0 : index
      %get3A_18 = arith.constant 0 : index
      %get3A_19 = vector.load %arg4[%get3A, %get3A_17, %get3A_18] : memref<2x512x128xf32, #tpu.memory_space<vmem>>, vector<1x512x128xf32>
      %get3A_20 = vector.shape_cast %get3A_19 : vector<1x512x128xf32> to vector<512x128xf32>
      %add3A_21 = arith.constant 1 : i32
      %add3A_22 = arith.addi %arg0, %add3A_21 : i32
      %jit3A_23 = arith.constant 2 : i32
      %eq3A_24 = arith.constant 0 : i32
      %eq3A_25 = arith.cmpi eq, %jit3A_23, %eq3A_24 : i32
      %jit3A_26 = arith.constant 1 : i32
      %select_n3A_27 = arith.select %eq3A_25, %jit3A_26, %jit3A_23 : i32
      %rem3A_28 = arith.remsi %add3A_22, %select_n3A_27 : i32
      %ne3A_29 = arith.constant 0 : i32
      %ne3A_30 = arith.cmpi ne, %rem3A_28, %ne3A_29 : i32
      %lt3A_31 = arith.constant 0 : i32
      %lt3A_32 = arith.cmpi slt, %rem3A_28, %lt3A_31 : i32
      %lt3A_33 = arith.constant 0 : i32
      %lt3A_34 = arith.cmpi slt, %select_n3A_27, %lt3A_33 : i32
      %ne3A_35 = arith.xori %lt3A_32, %lt3A_34 : i1
      %and3A_36 = arith.andi %ne3A_35, %ne3A_30 : i1
      %add3A_37 = arith.addi %rem3A_28, %select_n3A_27 : i32
      %select_n3A_38 = arith.select %and3A_36, %add3A_37, %rem3A_28 : i32
      %get3A_39 = arith.index_cast %select_n3A_38 : i32 to index
      %get3A_40 = arith.constant 0 : index
      %get3A_41 = arith.constant 0 : index
      %get3A_42 = vector.load %arg5[%get3A_39, %get3A_40, %get3A_41] : memref<2x512x128xf32, #tpu.memory_space<vmem>>, vector<1x512x128xf32>
      %get3A_43 = vector.shape_cast %get3A_42 : vector<1x512x128xf32> to vector<512x128xf32>
      %iota3A = tpu.iota {dimensions = array<i32: 1>} : vector<512x128xi32>
      %convert_element_type3A_44 = arith.sitofp %iota3A : vector<512x128xi32> to vector<512x128xf32>
      %mul3A = arith.constant 1.280000e+02 : f32
      %mul3A_45 = vector.broadcast %mul3A : f32 to vector<512x128xf32>
      %mul3A_46 = arith.mulf %get3A_43, %mul3A_45 : vector<512x128xf32>
      %add3A_47 = arith.addf %mul3A_46, %convert_element_type3A_44 : vector<512x128xf32>
      %reduce_max3A = arith.constant dense<0xFF800000> : vector<512xf32>
      %reduce_max3A_48 = vector.multi_reduction <maximumf>, %get3A_20, %reduce_max3A [1] : vector<512x128xf32> to vector<512xf32>
      %broadcast_in_dim3A = vector.shape_cast %reduce_max3A_48 : vector<512xf32> to vector<512x1xf32>
      %eq3A_49 = vector.broadcast %broadcast_in_dim3A : vector<512x1xf32> to vector<512x128xf32>
      %eq3A_50 = arith.cmpf oeq, %get3A_20, %eq3A_49 : vector<512x128xf32>
      %jit3A_51 = arith.constant 8.192000e+03 : f32
      %broadcast_in_dim3A_52 = vector.broadcast %jit3A_51 : f32 to vector<512x128xf32>
      %select_n3A_53 = arith.select %eq3A_50, %add3A_47, %broadcast_in_dim3A_52 : vector<512x128xi1>, vector<512x128xf32>
      %reduce_min3A = arith.constant dense<0x7F800000> : vector<512xf32>
      %reduce_min3A_54 = vector.multi_reduction <minimumf>, %select_n3A_53, %reduce_min3A [1] : vector<512x128xf32> to vector<512xf32>
      %convert_element_type3A_55 = arith.fptosi %reduce_min3A_54 : vector<512xf32> to vector<512xi32>
      %swap3A = arith.constant 0 : index
      %swap3A_56 = vector.load %arg3[%swap3A] : memref<512xi32, #tpu.memory_space<vmem>>, vector<512xi32>
      tpu.vector_store %arg3[%swap3A], %convert_element_type3A_55 {strides = array<i32>} : memref<512xi32, #tpu.memory_space<vmem>>, vector<512xi32>,
    } else {
    }
    return
  }
  func.func @transform_0(%arg0: i32) -> (i32, i32) {
    %min3A = arith.constant 31 : i32
    %min3A_0 = arith.minsi %arg0, %min3A : i32
    %c0_i32 = arith.constant 0 : i32
    %c0_i32_1 = arith.constant 0 : i32
    return %min3A_0, %c0_i32 : i32, i32
  }
  func.func @transform_1(%arg0: i32) -> (i32, i32) {
    %c0_i32 = arith.constant 0 : i32
    %c0_i32_0 = arith.constant 0 : i32
    %c0_i32_1 = arith.constant 0 : i32
    return %c0_i32, %c0_i32_0 : i32, i32
  }
  func.func @transform_2(%arg0: i32) -> i32 {
    %add3A = arith.constant 33 : i32
    %add3A_0 = arith.addi %arg0, %add3A : i32
    %sub3A = arith.constant 1 : i32
    %sub3A_1 = arith.subi %add3A_0, %sub3A : i32
    %jit3A = arith.constant 33 : i32
    %eq3A = arith.constant 0 : i32
    %eq3A_2 = arith.cmpi eq, %jit3A, %eq3A : i32
    %jit3A_3 = arith.constant 1 : i32
    %select_n3A = arith.select %eq3A_2, %jit3A_3, %jit3A : i32
    %rem3A = arith.remsi %sub3A_1, %select_n3A : i32
    %ne3A = arith.constant 0 : i32
    %ne3A_4 = arith.cmpi ne, %rem3A, %ne3A : i32
    %lt3A = arith.constant 0 : i32
    %lt3A_5 = arith.cmpi slt, %rem3A, %lt3A : i32
    %lt3A_6 = arith.constant 0 : i32
    %lt3A_7 = arith.cmpi slt, %select_n3A, %lt3A_6 : i32
    %ne3A_8 = arith.xori %lt3A_5, %lt3A_7 : i1
    %and3A = arith.andi %ne3A_8, %ne3A_4 : i1
    %add3A_9 = arith.addi %rem3A, %select_n3A : i32
    %select_n3A_10 = arith.select %and3A, %add3A_9, %rem3A : i32
    %c0_i32 = arith.constant 0 : i32
    return %select_n3A_10 : i32
  }
}

</mosaic_0001>

<sc_bundles>
// kernel: kernel.4.cloned.1.call-start
scs
__scs_entry_jumppad:
0x0: {  	(pc) =	sbr.rel $0x88, $3  }
0x1: {  	(tag) =	ssettag $0x0;
	lr =	simm.s32 $0x1  }
0x2: {  	[smem:$0x3F9F] =	sst lr;
	_ =	strace $0xD0000000  }
0x3: {  	_ = 	snop  }
0x4: {  	_ = 	snop  }
0x5: {  	_ = 	snop  }
0x6: {  	_ = 	snop  }
0x7: {  	_ = 	snop  }
__scs_overlays_trampoline_lowered:
0x8: {  	[smem:$0x3FAE] =	sst s0  }
0x9: {  	[smem:$0x3FAF] =	sst s1  }
0xa: {  	[smem:$0x3FB0] =	sst s2  }
0xb: {  	[smem:$0x3FB1] =	sst s3  }
0xc: {  	[smem:$0x3FB2] =	sst s4  }
0xd: {  	[smem:$0x3FB3] =	sst s5  }
0xe: {  	[smem:$0x3FB4] =	sst s6  }
0xf: {  	[smem:$0x3FB5] =	sst s7  }
0x10: {  	[smem:$0x3FB6] =	sst s8  }
0x11: {  	[smem:$0x3FB7] =	sst s9;
	s0 =	simm.s32 @!p0 $0x0  }
0x12: {  	s1 =	sld [smem:$0x3F9D];
	s0 =	simm.s32 @p0 $0x1  }
0x13: {  	[smem:$0x3FB8] =	sst s0;
	s0 =	simm.s32 @!p1 $0x0  }
0x14: {  	s2 =	sld [smem:$0x3F9C];
	s0 =	simm.s32 @p1 $0x1  }
0x15: {  	[smem:$0x3FB9] =	sst s0;
	s0 =	simm.s32 @!p2 $0x0  }
0x16: {  	s3 =	sld [smem:$0x3FDB];
	s0 =	simm.s32 @p2 $0x1  }
0x17: {  	s4 =	simm.s32 $0x1BF5;
	[smem:$0x3FBB] =	sst s0  }
0x18: {  	s0 =	sld [smem:$0x3F9E];
	_ =	swait.ge [sflag:s4], $0x0  }
0x19: {  	s7 =	sld [smem:$0x3F9F]  }
0x1a: {  	s8 =	sadd.s32 $0xFFFFE003, lr  }
0x1b: {  	s9 =	sadd.s32 $0xFFFFFEF7, lr;
	s5 =	simm.s32 $0xFFFFFFFF;
	p2 =	slt.u32 s8, $0xFFFFF086  }
0x1c: {  	p1 =	slt.u32 s9, $0xF7A;
	s5 =	simm.s32 @!p2 $0x0  }
0x1d: {  	s5 =	simm.s32 @p1 $0x1;
	p0 =	seq.s32 s7, s2  }
0x1e: {  	s7 =	smul.u32 @!p0 $0xF7A, s2;
	p2 =	seq.s32 @!p0 s5, $0x0  }
0x1f: {  	s9 =	smul.u32 $0xF7A, s1;
	s8 =	simm.s32 @!p0 $0x1BF5;
	p2 =	por !p2, p0  }
0x20: {  	[sflag:s8] =	ssyncset.s32 @!p0 $0xFFFFF086;
	s6 =	sadd.s32 @!p0 s3, s7;
	s7 =	simm.s32 @!p0 $0x108  }
0x21: {  	s3 =	sadd.s32 s3, s9;
	s6 =	sadd.s32 @!p0 $0x88, s6;
	s7 =	simm.s32 @p2 $0x1082  }
0x22: {  	[simem:s7], [sflag:s8] =	dma.local @!p0 [hbm:s6], $0xF7A  }
0x23: {  	s9 =	sor.u32 $0xD0000000, s2;
	s6 =	simm.s32 $0x108;
	_ =	swait.ge @!p0 [sflag:s8], $0x0  }
0x24: {  	s3 =	sadd.s32 $0x88, s3;
	s6 =	simm.s32 @!p1 $0x1082;
	[sflag:s4] =	ssyncset.s32 $0xFFFFF086  }
0x25: {  	[simem:s6], [sflag:s4] =	dma.local [hbm:s3], $0xF7A  }
0x26: {  	[smem:$0x3F9F] =	sst s1;
	(tag) =	ssettag s2;
	_ =	strace s9  }
0x27: {  	s1 =	sld [smem:$0x3FAF]  }
0x28: {  	s2 =	sld [smem:$0x3FB0]  }
0x29: {  	s4 =	sld [smem:$0x3FB2]  }
0x2a: {  	p0 =	seq.s32 s5, $0x0;
	s5 =	sld [smem:$0x3FB3]  }
0x2b: {  	s6 =	sld [smem:$0x3FB4]  }
0x2c: {  	s7 =	sld [smem:$0x3FB5]  }
0x2d: {  	s3 =	simm.s32 $0x108;
	s8 =	sld [smem:$0x3FB6]  }
0x2e: {  	s3 =	simm.s32 @!p0 $0x1082;
	s9 =	sld [smem:$0x3FB7]  }
0x2f: {  	lr =	sadd.s32 s0, s3;
	s0 =	sld [smem:$0x3FAE]  }
0x30: {  	s3 =	sld [smem:$0x3FB1]  }
0x31: {  	[smem:$0x3FBA] =	sst s10  }
0x32: {  	s10 =	sld [smem:$0x3FB8];
	_ =	sdelay $0x3  }
0x33: {  	p0 =	seq.s32 s10, $0x1;
	s10 =	sld [smem:$0x3FBA];
	_ =	sdelay $0x3  }
0x34: {  	[smem:$0x3FBA] =	sst s10  }
0x35: {  	s10 =	sld [smem:$0x3FB9];
	_ =	sdelay $0x3  }
0x36: {  	p1 =	seq.s32 s10, $0x1;
	s10 =	sld [smem:$0x3FBA];
	_ =	sdelay $0x3  }
0x37: {  	[smem:$0x3FBA] =	sst s10  }
0x38: {  	s10 =	sld [smem:$0x3FBB]  }
0x39: {  	_ = 	snop;
	(pc) =	sbr.ind lr, $3  }
0x3a: {  	_ = 	snop  }
0x3b: {  	_ = 	snop  }
0x3c: {  	p2 =	seq.s32 s10, $0x1;
	s10 =	sld [smem:$0x3FBA]  }
0x3d: {  	_ =	shalt  }
0x3e: {  	_ =	shalt  }
0x3f: {  	_ =	shalt  }
0x40: {  	_ =	shalt  }
0x41: {  	_ =	shalt  }
0x42: {  	_ =	shalt  }
0x43: {  	_ =	shalt  }
0x44: {  	_ =	shalt  }
0x45: {  	_ =	shalt  }
0x46: {  	_ =	shalt  }
0x47: {  	_ =	shalt  }
0x48: {  	_ =	shalt  }
0x49: {  	_ =	shalt  }
0x4a: {  	_ =	shalt  }
0x4b: {  	_ =	shalt  }
0x4c: {  	_ =	shalt  }
0x4d: {  	_ =	shalt  }
0x4e: {  	_ =	shalt  }
0x4f: {  	_ =	shalt  }
0x50: {  	_ =	shalt  }
0x51: {  	_ =	shalt  }
0x52: {  	_ =	shalt  }
0x53: {  	_ =	shalt  }
0x54: {  	_ =	shalt  }
0x55: {  	_ =	shalt  }
0x56: {  	_ =	shalt  }
0x57: {  	_ =	shalt  }
0x58: {  	_ =	shalt  }
0x59: {  	_ =	shalt  }
0x5a: {  	_ =	shalt  }
0x5b: {  	_ =	shalt  }
0x5c: {  	_ =	shalt  }
0x5d: {  	_ =	shalt  }
0x5e: {  	_ =	shalt  }
0x5f: {  	_ =	shalt  }
0x60: {  	_ =	shalt  }
0x61: {  	_ =	shalt  }
0x62: {  	_ =	shalt  }
0x63: {  	_ =	shalt  }
0x64: {  	_ =	shalt  }
0x65: {  	_ =	shalt  }
0x66: {  	_ =	shalt  }
0x67: {  	_ =	shalt  }
0x68: {  	_ =	shalt  }
0x69: {  	_ =	shalt  }
0x6a: {  	_ =	shalt  }
0x6b: {  	_ =	shalt  }
0x6c: {  	_ =	shalt  }
0x6d: {  	_ =	shalt  }
0x6e: {  	_ =	shalt  }
0x6f: {  	_ =	shalt  }
0x70: {  	_ =	shalt  }
0x71: {  	_ =	shalt  }
0x72: {  	_ =	shalt  }
0x73: {  	_ =	shalt  }
0x74: {  	_ =	shalt  }
0x75: {  	_ =	shalt  }
0x76: {  	_ =	shalt  }
0x77: {  	_ =	shalt  }
0x78: {  	_ =	shalt  }
0x79: {  	_ =	shalt  }
0x7a: {  	_ =	shalt  }
0x7b: {  	_ =	shalt  }
0x7c: {  	_ =	shalt  }
0x7d: {  	_ =	shalt  }
0x7e: {  	_ =	shalt  }
0x7f: {  	_ =	shalt  }
0x80: {  	_ =	shalt  }
0x81: {  	_ =	shalt  }
0x82: {  	_ =	shalt  }
0x83: {  	_ =	shalt  }
0x84: {  	_ =	shalt  }
0x85: {  	_ =	shalt  }
0x86: {  	_ =	shalt  }
0x87: {  	_ =	shalt  }
.Lfunc_end0:
.L_simem_size_0:
called_computation_lowered:
.L_overlay_start_0:
0x88: {  	s2 =	sld [smem:$0x3FD9]  }
0x89: {  	s3 =	sld [smem:$0x3FFE];
	_ =	sdelay $0x1  }
0x8a: {  	s1 =	srdreg.scid  }
0x8b: {  	s0 =	sand.u32 $0x1, s1  }
0x8c: {  	s17 =	sshll.u32 s0, $0xA;
	s2 =	sadd.s32 s3, s2  }
0x8d: {  	s2 =	sadd.s32 s2, s17  }
0x8e: {  	[smem:$0x3FC6] =	sst s2  }
0x8f: {  	_ = 	snop  }
0x90: {  	s2 =	sld [smem:$0x3FD0];
	(tm) =	ssettm $0x1  }
0x91: {  	s18 =	sld [smem:$0x3FFB];
	_ =	sdelay $0x3  }
0x92: {  	_ =	strace s18  }
0x93: {  	s3 =	sld [smem:$0x3FFC];
	_ =	sdelay $0x3  }
0x94: {  	_ =	strace s3  }
0x95: {  	s3 =	sld [smem:$0x3FFD];
	_ =	sdelay $0x3  }
0x96: {  	_ =	strace s3  }
0x97: {  	_ =	strace $0x8FFFFFFF  }
0x98: {  	s19 =	sld [smem:$0x3FDB];
	_ =	sdelay $0x1  }
0x99: {  	s4 =	simm.s32 $_scs_section_size  }
0x9a: {  	s5 =	simm.s32 $_size__tile_overlayer_lowered;
	s6 =	simm.s32 $_tile_overlayer_lowered  }
0x9b: {  	s22 =	simm.s32 $0x1BFF;
	s21 =	sshll.u32 s6, $0x1;
	s3 =	sadd.s32 s4, s19  }
0x9c: {  	s7 =	simm.s32 $0x0;
	s20 =	sshll.u32 s5, $0x1;
	s5 =	sadd.s32 s21, s3  }
0x9d: {  	[timem:s7], [sflag:s22] =	dma.local [hbm:s5], s20  }
0x9e: {  	_ =	swait.ge [sflag:s22], s20  }
0x9f: {  	s4 =	ssub.s32 $0x0, s20;
	[sflag:s22] =	ssyncset.done $0x0  }
0xa0: {  	[sflag:s22] =	ssyncadd.s32 s4;
	_ =	sdelay $0x1  }
0xa1: {  	s23 =	simm.s32 $0x1B8B  }
0xa2: {  	_ =	swait.ge [sflag:s23], $0x1  }
0xa3: {  	[sflag:s23] =	ssyncset.done $0x0  }
0xa4: {  	s25 =	simm.s32 $0x1B8E;
	s24 =	sld [smem:$0x3FFE];
	[sflag:s23] =	ssyncadd.s32 $0xFFFFFFFF  }
0xa5: {  	s26 =	simm.s32 $execute0_lowered;
	[smem:$0x3FD2] =	sst s25  }
0xa6: {  	s5 =	sshll.u32 s26, $0x1;
	_ =	strace $0x80000046;
	[dreg:$0x1] =	wrdreg $0xFFFFFFFF  }
0xa7: {  	s28 =	simm.s32 $_size_execute0_lowered;
	s3 =	sadd.s32 s3, s5;
	[dreg:$0x0] =	wrdreg $0x0  }
0xa8: {  	s5 =	sshll.u32 s28, $0x1;
	[dreg:$0x2] =	wrdreg s3  }
0xa9: {  	[dreg:$0x3] =	wrdreg s5  }
0xaa: {  	[dreg:$0x4] =	wrdreg $0xC0  }
0xab: {  	_ =	task [dreg:s7], $0x5FFFF  }
0xac: {  	[dreg:$0x1] =	wrdreg $0xFFFFFFFF  }
0xad: {  	[dreg:$0x0] =	wrdreg $0x60  }
0xae: {  	[dreg:$0x2] =	wrdreg s24  }
0xaf: {  	[dreg:$0x3] =	wrdreg s2  }
0xb0: {  	[dreg:$0x4] =	wrdreg $0x9  }
0xb1: {  	_ =	task.clear_ibuf [dreg:s7], $0x5FFFF;
	_ =	strace $0x90000046  }
0xb2: {  	s29 =	simm.s32 $0x9;
	_ =	strace $0x80000048  }
0xb3: {  	_ =	swait.ge [sflag:s29], $0x1  }
0xb4: {  	[sflag:s29] =	ssyncadd.s32 $0xFFFFFFFF  }
0xb5: {  	_ =	strace $0x90000048  }
0xb6: {  	_ =	sfence  }
0xb7: {  	s30 =	sld [smem:$0x0];
	_ =	sdelay $0x2  }
0xb8: {  	s31 =	sshll.u32 s1, $0xD;
	s1 =	sshrl.u32 s1, $0x2  }
0xb9: {  	s3 =	sand.u32 $0x4000, s31;
	s1 =	sadd.s32 s1, s30  }
0xba: {  	s0 =	sor.u32 s3, s0;
	s1 =	sshll.u32 s1, $0x11  }
0xbb: {  	s0 =	sor.u32 s1, s0  }
0xbc: {  	s0 =	sadd.s32 $0x8F2B, s0  }
0xbd: {  	[sflag:s0] =	ssyncadd.remote.s32 $0x1  }
0xbe: {  	_ =	sfence.sel $0xFFFF  }
0xbf: {  	[dreg:$0x0] =	wrdreg $0xFFFFFFFF;
	(pc) =	sbr.abs _section_cstart, $3  }
0xc0: {  	[dreg:$0x1] =	wrdreg $0xFFFFFFFF  }
0xc1: {  	_ =	task.clear_ibuf [dreg:s7], $0x2FFFF;
	_ =	strace $0x9FFFFFFF  }
0xc2: {  	(tm) =	ssettm $0x7FFFFFFF  }
0xc3: {  	_ =	shalt  }
tec
execute0_lowered:
.L_overlay_start_1:
0x0: {  	(tag) =	ssettag $0x1  }
0x1: {  	s1 =	srdreg.scid;
	s0 =	stileid.u32  }
0x2: {  	s5 =	rddreg [dreg:$0x0];
	s14 =	sand.u32 $0x1, s1;
	s29 =	sshll.u32 s0, $0x1  }
0x3: {  	s15 =	rddreg [dreg:$0x1];
	s16 =	sor.u32 s14, s29  }
0x4: {  	s2 =	simm.s32 $0x0;
	s1 =	rddreg [dreg:$0x2];
	s3 =	sshll.u32 s16, $0x6  }
0x5: {  	[smem:$0x7FF] =	sst s2;
	s3 =	sadd.s32 s3, s5  }
0x6: {  	_ =	strace $0x80000047;
	s4 =	sadd.s32 $0x8800, s3;
	s3 =	simm.s32 $0x2  }
0x7: {  	[tilespmem:s2], [sflag:$0x2] =	stream.linear.gather [hbm4b:s4+s2], $0x200, $0x38;
	[tilespmem:$0x4200] =	vst v63  }
0x8: {  	_ =	swait.ge [sflag:s3], $0x200  }
0x9: {  	s6 =	simm.s32 $0x80;
	[sflag:s3] =	ssyncset.done $0x0  }
0xa: {  	s7 =	simm.s32 $0x200;
	s5 =	sadd.s32 $0x800, s5;
	[sflag:s3] =	ssyncadd.s32 $0xFFFFFE00  }
0xb: {  	[tilespmem:s7], [sflag:$0x1] =	stream.indirect.gather [hbm4b:s5+s6], $0x20, s2, s6, $0xb8;
	[tilespmem:$0x4200] =	vst v63  }
0xc: {  	s8 =	simm.s32 $0x1200  }
0xd: {  	[tilespmem:s8], [sflag:$0x1] =	stream.indirect.gather [hbm4b:s5+s6], $0x20, s6, s6, $0xb8;
	[tilespmem:$0x4200] =	vst v63  }
0xe: {  	s9 =	simm.s32 $0x100;
	s10 =	simm.s32 $0x2200  }
0xf: {  	[tilespmem:s10], [sflag:$0x1] =	stream.indirect.gather [hbm4b:s5+s6], $0x20, s9, s6, $0xb8;
	[tilespmem:$0x4200] =	vst v63  }
0x10: {  	s11 =	simm.s32 $0x180;
	s12 =	simm.s32 $0x3200;
	s13 =	simm.s32 $0x1  }
0x11: {  	[tilespmem:s12], [sflag:$0x1] =	stream.indirect.gather [hbm4b:s5+s6], $0x20, s11, s6, $0xb8;
	[tilespmem:$0x4200] =	vst v63  }
0x12: {  	_ =	swait.ge [sflag:s13], $0x1000  }
0x13: {  	[sflag:s13] =	ssyncset.done $0x0  }
0x14: {  	[sflag:s13] =	ssyncadd.s32 $0xFFFFF000  }
0x15: {  	_ =	swait.ge [sflag:s13], $0x1000  }
0x16: {  	[sflag:s13] =	ssyncset.done $0x0  }
0x17: {  	s14 =	ssub.s32 $0x2, s14;
	[sflag:s13] =	ssyncadd.s32 $0xFFFFF000  }
0x18: {  	s17 =	sshrl.u32 s14, $0x1;
	_ =	swait.ge [sflag:s13], $0x1000  }
0x19: {  	s17 =	ssub.s32 s14, s17;
	[sflag:s13] =	ssyncset.done $0x0  }
0x1a: {  	s31 =	smax.u32 s17, $0x1;
	[sflag:s13] =	ssyncadd.s32 $0xFFFFF000  }
0x1b: {  	p0 =	sne.s32 s31, $0x1;
	_ =	swait.ge [sflag:s13], $0x1000  }
.Ltmp0:
0x1c: {  	s30 =	sshll.u32 s16, $0xB;
	[sflag:s13] =	ssyncset.done $0x0;
	(pc) =	sbr.rel @!p0 .LBB2_2-.Ltmp0, $4  }
0x1d: {  	s14 =	sadd.s32 s15, s30;
	[sflag:s13] =	ssyncadd.s32 $0xFFFFF000  }
0x1e: {  	[hbm4b:s14+s2] =	stream.linear.scatter [tilespmem:s7], [sflag:$0x2], $0x4000, $0x38;
	[tilespmem:$0x4200] =	vst v63  }
0x1f: {  	_ =	swait.ge [sflag:s3], $0x4000  }
0x20: {  	s15 =	sadd.s32 $0xFFFFFFFF, s31;
	[sflag:s3] =	ssyncset.done $0x0  }
.LBB2_1:
0x21: {  	p0 =	sne.s32 s15, $0x1;
	s15 =	sadd.s32 $0xFFFFFFFF, s15;
	[sflag:s3] =	ssyncadd.s32 $0xFFFFC000  }
0x22: {  	[tilespmem:s2], [sflag:$0x2] =	stream.linear.gather [hbm4b:s4+s2], $0x200, $0x38;
	[tilespmem:$0x4200] =	vst v63  }
0x23: {  	_ =	swait.ge [sflag:s3], $0x200  }
0x24: {  	[sflag:s3] =	ssyncset.done $0x0  }
0x25: {  	[sflag:s3] =	ssyncadd.s32 $0xFFFFFE00  }
0x26: {  	[tilespmem:s7], [sflag:$0x1] =	stream.indirect.gather [hbm4b:s5+s6], $0x20, s2, s6, $0xb8;
	[tilespmem:$0x4200] =	vst v63  }
0x27: {  	_ = 	snop  }
0x28: {  	[tilespmem:s8], [sflag:$0x1] =	stream.indirect.gather [hbm4b:s5+s6], $0x20, s6, s6, $0xb8;
	[tilespmem:$0x4200] =	vst v63  }
0x29: {  	_ = 	snop  }
0x2a: {  	[tilespmem:s10], [sflag:$0x1] =	stream.indirect.gather [hbm4b:s5+s6], $0x20, s9, s6, $0xb8;
	[tilespmem:$0x4200] =	vst v63  }
0x2b: {  	_ = 	snop  }
0x2c: {  	[tilespmem:s12], [sflag:$0x1] =	stream.indirect.gather [hbm4b:s5+s6], $0x20, s11, s6, $0xb8;
	[tilespmem:$0x4200] =	vst v63  }
0x2d: {  	_ =	swait.ge [sflag:s13], $0x1000  }
0x2e: {  	[sflag:s13] =	ssyncset.done $0x0  }
0x2f: {  	[sflag:s13] =	ssyncadd.s32 $0xFFFFF000  }
0x30: {  	_ =	swait.ge [sflag:s13], $0x1000  }
0x31: {  	[sflag:s13] =	ssyncset.done $0x0  }
0x32: {  	[sflag:s13] =	ssyncadd.s32 $0xFFFFF000  }
0x33: {  	_ =	swait.ge [sflag:s13], $0x1000  }
0x34: {  	[sflag:s13] =	ssyncset.done $0x0  }
0x35: {  	[sflag:s13] =	ssyncadd.s32 $0xFFFFF000  }
0x36: {  	_ =	swait.ge [sflag:s13], $0x1000  }
.Ltmp1:
0x37: {  	[sflag:s13] =	ssyncset.done $0x0;
	(pc) =	sbr.rel @p0 .LBB2_1-.Ltmp1, $4  }
0x38: {  	[sflag:s13] =	ssyncadd.s32 $0xFFFFF000  }
0x39: {  	[hbm4b:s14+s2] =	stream.linear.scatter [tilespmem:s7], [sflag:$0x2], $0x4000, $0x38;
	[tilespmem:$0x4200] =	vst v63  }
0x3a: {  	_ =	swait.ge [sflag:s3], $0x4000  }
0x3b: {  	[sflag:s3] =	ssyncset.done $0x0  }
.LBB2_2:
0x3c: {  	[sflag:s3] =	ssyncadd.s32 $0xFFFFC000  }
0x3d: {  	_ =	sfence.sel $0x180000  }
0x3e: {  	[bflag:$0x0] =	sbarrier.arrive $0xFFFF  }
0x3f: {  	p0 =	sne.s32 s0, $0x0;
	_ =	strace $0x90000047  }
0x40: {  	s0 =	sadd.s32 @!p0 $0x100000, s1;
	[bflag:$0x2] =	sbarrier.arrive $0xFFFF  }
0x41: {  	[sflag:s0] =	ssyncadd.tile.s32 @!p0 $0x1;
	_ =	shalt  }
.Lfunc_end2:
_tile_overlayer_lowered:
.L_overlay_start_2:
0x42: {  	(tag) =	ssettag $0x2  }
0x43: {  	s0 =	rddreg [dreg:$0x0];
	s2 =	stileid.u32  }
0x44: {  	s1 =	rddreg [dreg:$0x1];
	p0 =	sne.s32 s2, $0x0  }
0x45: {  	s3 =	rddreg [dreg:$0x2];
	[bflag:$0x3] =	sbarrier.arrive $0xFFFF;
	s2 =	simm.s32 @!p0 $0x1C02  }
0x46: {  	[timem:s3], [sflag:s2] =	dma.local @!p0 [hbm:s0], s1  }
0x47: {  	s0 =	simm.s32 @!p0 $0x2  }
0x48: {  	_ =	swait.ge @!p0 [sflag:s0], s1  }
0x49: {  	s1 =	ssub.s32 @!p0 $0x0, s1;
	[sflag:s0] =	ssyncset.done @!p0 $0x0  }
0x4a: {  	[sflag:s0] =	ssyncadd.s32 @!p0 s1  }
0x4b: {  	[bflag:$0x3] =	sbarrier.arrive $0xFFFF  }
0x4c: {  	_ =	shalt  }

</sc_bundles>
